<compile_context>
chip_gen: v7x
topology: tpu7x:2x2x1
jax: 0.10.2.dev20260603
libtpu: 0.0.44.dev20260713+nightly
codegen_flags: <defaults>
</compile_context>

<pallas_src>
import functools

import jax
import jax.numpy as jnp
from jax import lax
from jax.experimental import pallas as pl
from jax.experimental.pallas import tpu as pltpu
from jax.experimental.pallas import tpu_sc as plsc

N_E = 8192
E_DIM = 64
GROUPS = 4
NG = N_E // GROUPS
ROWS = 16 * 32 * 32
T = 512
NT = ROWS // T


def _vq_body(z_ref, emb_ref, idx_ref, gidx_ref, me_ref, perp_ref, en_ref,
             counts_ref, esq_ref, lane_ref):
    i = pl.program_id(0)

    @pl.when(i == 0)
    def _init():
        counts_ref[...] = jnp.zeros_like(counts_ref)
        lane_ref[...] = jax.lax.broadcasted_iota(
            jnp.int32, (1, NG), 1).astype(jnp.float32)
        emb = emb_ref[...]
        for g in range(GROUPS):
            e = emb[g * NG:(g + 1) * NG, :]
            en = e / jnp.maximum(
                jnp.sqrt(jnp.sum(e * e, axis=1, keepdims=True)), 1e-12)
            en_ref[g * NG:(g + 1) * NG, :] = en
            esq = jnp.sum(en * en, axis=1, keepdims=True)
            esq_ref[g:g + 1, :] = esq.reshape(1, NG)

    for g in range(GROUPS):
        z = z_ref[:, g * E_DIM:(g + 1) * E_DIM]
        zn = z / jnp.maximum(
            jnp.sqrt(jnp.sum(z * z, axis=1, keepdims=True)), 1e-12)
        en = en_ref[g * NG:(g + 1) * NG, :]

        s2 = jax.lax.dot_general(zn + zn, en, (((1,), (1,)), ((), ())),
                                 preferred_element_type=jnp.float32)
        zsq = jnp.sum(zn * zn, axis=1, keepdims=True)
        d = -zsq - esq_ref[g:g + 1, :] + s2

        m = jnp.max(d, axis=1, keepdims=True)
        lane_f = lane_ref[...]
        idx_f = jnp.max(jnp.where(d >= m, lane_f, -1.0), axis=1,
                        keepdims=True)
        idx = idx_f.astype(jnp.int32)

        idx_ref[:, g:g + 1] = idx
        gidx_ref[:, g:g + 1] = idx + g * NG
        if g == GROUPS - 1:
            oh = (lane_f == idx_f).astype(jnp.float32)
            me_ref[...] = oh
            ones_row = jnp.ones((1, T), jnp.float32)
            counts_ref[...] += jax.lax.dot_general(
                ones_row, oh, (((1,), (0,)), ((), ())),
                preferred_element_type=jnp.float32)

    @pl.when(i == NT - 1)
    def _finish():
        avg = counts_ref[...] / float(ROWS)
        ent = jnp.sum(avg * jnp.log(avg + 1e-10), axis=1, keepdims=True)
        perp_ref[...] = jnp.exp(-ent)


_vq_call = pl.pallas_call(
    _vq_body,
    grid=(NT,),
    in_specs=[
        pl.BlockSpec((T, GROUPS * E_DIM), lambda i: (i, 0)),
        pl.BlockSpec((N_E, E_DIM), lambda i: (0, 0)),
    ],
    out_specs=[
        pl.BlockSpec((T, GROUPS), lambda i: (i, 0)),
        pl.BlockSpec((T, GROUPS), lambda i: (i, 0)),
        pl.BlockSpec((T, NG), lambda i: (i, 0)),
        pl.BlockSpec((1, 1), lambda i: (0, 0)),
        pl.BlockSpec((N_E, E_DIM), lambda i: (0, 0)),
    ],
    out_shape=[
        jax.ShapeDtypeStruct((ROWS, GROUPS), jnp.int32),
        jax.ShapeDtypeStruct((ROWS, GROUPS), jnp.int32),
        jax.ShapeDtypeStruct((ROWS, NG), jnp.float32),
        jax.ShapeDtypeStruct((1, 1), jnp.float32),
        jax.ShapeDtypeStruct((N_E, E_DIM), jnp.float32),
    ],
    scratch_shapes=[
        pltpu.VMEM((1, NG), jnp.float32),
        pltpu.VMEM((GROUPS, NG), jnp.float32),
        pltpu.VMEM((1, NG), jnp.float32),
    ],
)

_SC_INFO = plsc.get_sparse_core_info()
_NC = _SC_INFO.num_cores
_NS = _SC_INFO.num_subcores
_L = _SC_INFO.num_lanes
_NW = _NC * _NS


_FPW = (ROWS * GROUPS) // _NW
_NCH = 4
_CH = _FPW // _NCH


@functools.partial(
    pl.kernel,
    mesh=plsc.VectorSubcoreMesh(core_axis_name="c", subcore_axis_name="s"),
    compiler_params=pltpu.CompilerParams(use_tc_tiling_on_sc=False),
    out_type=jax.ShapeDtypeStruct((ROWS * GROUPS, E_DIM), jnp.float32),
    scratch_types=[
        pltpu.VMEM((_CH,), jnp.int32),
        pltpu.VMEM((_CH,), jnp.int32),
        pltpu.VMEM((_CH, E_DIM), jnp.float32),
        pltpu.VMEM((_CH, E_DIM), jnp.float32),
        pltpu.SemaphoreType.DMA,
        pltpu.SemaphoreType.DMA,
    ],
)
def _sc_gather(en_hbm, gidx_hbm, out_hbm, idx0, idx1, rows0, rows1, sem0, sem1):
    wid = lax.axis_index("s") * _NC + lax.axis_index("c")
    base = wid * _FPW
    idxb, rowsb, semb = (idx0, idx1), (rows0, rows1), (sem0, sem1)
    copies = [None, None]
    pltpu.sync_copy(gidx_hbm.at[pl.ds(base, _CH)], idx0)
    copies[0] = pltpu.async_copy(en_hbm.at[idx0], rows0, sem0)
    for c in range(_NCH):
        cur, nxt = c % 2, (c + 1) % 2
        if c + 1 < _NCH:
            pltpu.sync_copy(
                gidx_hbm.at[pl.ds(base + (c + 1) * _CH, _CH)], idxb[nxt])
            copies[nxt] = pltpu.async_copy(
                en_hbm.at[idxb[nxt]], rowsb[nxt], semb[nxt])
        copies[cur].wait()
        pltpu.sync_copy(rowsb[cur], out_hbm.at[pl.ds(base + c * _CH, _CH), :])


def kernel(z_groups, embedding_weight):
    b = z_groups.shape[0]
    z2d = z_groups.transpose(0, 2, 3, 1).reshape(ROWS, GROUPS * E_DIM)
    idx, gidx, me, perp, en = _vq_call(z2d, embedding_weight)
    zq = _sc_gather(en, gidx.reshape(ROWS * GROUPS))
    quant = (zq.reshape(b, 32, 32, GROUPS * E_DIM)
             .transpose(0, 3, 1, 2))
    zeros_g = jnp.zeros((GROUPS,), jnp.float32)
    return (quant, zeros_g, zeros_g, zeros_g, perp[0, 0], me, idx)

# --- scband reference (transcript-rebuilt; emitter-appended) ---
"""Pipeline reference for scband-vector-quantizer-80350248173952 (READ-ONLY COPY).

The authoritative reference and input builder live on the scoring server;
editing this copy changes nothing except your own understanding.
"""

import jax, jax.numpy as jnp
import numpy as np

N_E = 8192
E_DIM = 64
GROUPS = 4
NG = N_E // GROUPS


def _l2norm(x, axis=-1):
    n = jnp.sqrt(jnp.sum(x * x, axis=axis, keepdims=True))
    return x / jnp.clip(n, 1e-12)


def setup_inputs(seed: int = 0) -> dict:
    key = jax.random.key(seed)
    k1, k2 = jax.random.split(key)
    z_groups = jax.random.normal(k1, (16, GROUPS * E_DIM, 32, 32), dtype=jnp.float32)
    emb = jax.random.uniform(k2, (N_E, E_DIM), minval=-1.0 / N_E, maxval=1.0 / N_E, dtype=jnp.float32)
    # __init__ l2-normalizes the codebook when l2_norm=True
    emb = _l2norm(emb)
    return {"z_groups": z_groups, "embedding_weight": emb}


def reference(z_groups, embedding_weight):
    # eval-mode forward (self.training == False, show_usage == False)
    vq_loss = jnp.zeros((GROUPS,), dtype=jnp.float32)
    commit_loss = jnp.zeros((GROUPS,), dtype=jnp.float32)
    codebook_usage = jnp.zeros((GROUPS,), dtype=jnp.float32)
    z_q_list = []
    idx_list = []
    perplexity = None
    min_encodings = None
    for i in range(GROUPS):
        z = z_groups[:, i * E_DIM:(i + 1) * E_DIM, :, :]
        z = jnp.transpose(z, (0, 2, 3, 1))  # b c h w -> b h w c
        z_flat = z.reshape(-1, E_DIM)
        # l2_norm == True path
        z = _l2norm(z)
        z_flat = _l2norm(z_flat)
        emb = _l2norm(embedding_weight[i * NG:(i + 1) * NG, :])
        d = (-jnp.sum(z_flat ** 2, axis=1, keepdims=True)
             - jnp.sum(emb ** 2, axis=1)
             + 2.0 * (z_flat @ emb.T))
        # torch: sort ascending then take last column == argmax of d
        indices = jnp.argsort(d, axis=1)[:, -1]
        z_q = jnp.take(emb, indices, axis=0).reshape(z.shape)
        idx_list.append(indices)
        # straight-through estimator
        z_q = z + jax.lax.stop_gradient(z_q - z)
        z_q = jnp.transpose(z_q, (0, 3, 1, 2))  # b h w c -> b c h w
        z_q_list.append(z_q)
        min_encodings = jax.nn.one_hot(indices, NG, dtype=z.dtype)
        avg_probs = jnp.mean(min_encodings, axis=0)
        perplexity = jnp.exp(-jnp.sum(avg_probs * jnp.log(avg_probs + 1e-10)))
    quant = jnp.concatenate(z_q_list, axis=1)
    encoding_indices = jnp.stack(idx_list, axis=-1)
    return (quant, vq_loss, commit_loss, codebook_usage, perplexity, min_encodings, encoding_indices)

if __name__ == "__main__":
    import jax
    _d = setup_inputs()
    print(jax.jit(kernel)(*tuple(_d.values())))

</pallas_src>

<mosaic_0001>
#map = affine_map<(d0, d1) -> (0, 0)>
#map1 = affine_map<(d0, d1) -> (0)>
module attributes {stable_mosaic.version = 14 : i64} {
  func.func @_sc_gather(%arg0: i32, %arg1: i32, %arg2: memref<8192x64xf32, #tpu.memory_space<hbm>>, %arg3: memref<65536xi32, #tpu.memory_space<hbm>>, %arg4: memref<65536x64xf32, #tpu.memory_space<hbm>>, %arg5: memref<512xi32, #tpu.memory_space<vmem>>, %arg6: memref<512xi32, #tpu.memory_space<vmem>>, %arg7: memref<512x64xf32, #tpu.memory_space<vmem>>, %arg8: memref<512x64xf32, #tpu.memory_space<vmem>>, %arg9: memref<!tpu.dma_semaphore, #tpu.memory_space<semaphore_mem>>, %arg10: memref<!tpu.dma_semaphore, #tpu.memory_space<semaphore_mem>>) attributes {dimension_semantics = [#tpu.dimension_semantics<core_parallel>, #tpu.dimension_semantics<subcore_parallel>], iteration_bounds = array<i64: 2, 16>, scalar_prefetch = 0 : i64, scratch_operands = 6 : i64, tpu.core_type = #tpu.core_type<sc_vector_subcore>, window_params = [{transform_indices = #map}, {transform_indices = #map1}, {transform_indices = #map}]} {
    %mul3A = arith.constant 2 : i32
    %mul3A_0 = arith.muli %arg1, %mul3A : i32
    %add3A = arith.addi %mul3A_0, %arg0 : i32
    %mul3A_1 = arith.constant 2048 : i32
    %mul3A_2 = arith.muli %add3A, %mul3A_1 : i32
    "tpu.region"() ({
      %run_scoped3A = tpu.sem_alloc : memref<!tpu.dma_semaphore, #tpu.memory_space<semaphore_mem>>
      %dma_start3A_39 = tpu.memref_slice %arg3[%mul3A_2] : memref<65536xi32, #tpu.memory_space<hbm>> -> memref<512xi32, #tpu.memory_space<hbm>>
      %dma_start3A_40 = tpu.memref_slice %arg3[%mul3A_2] : memref<65536xi32, #tpu.memory_space<hbm>> -> memref<512xi32, #tpu.memory_space<hbm>>
      tpu.enqueue_dma source(%dma_start3A_40 : memref<512xi32, #tpu.memory_space<hbm>>) target(%arg5 : memref<512xi32, #tpu.memory_space<vmem>>) target_semaphore(%run_scoped3A : memref<!tpu.dma_semaphore, #tpu.memory_space<semaphore_mem>>)
      %dma_wait3A_41 = tpu.memref_slice %arg3[%mul3A_2] : memref<65536xi32, #tpu.memory_space<hbm>> -> memref<512xi32, #tpu.memory_space<hbm>>
      %dma_wait3A_42 = tpu.memref_slice %arg3[%mul3A_2] : memref<65536xi32, #tpu.memory_space<hbm>> -> memref<512xi32, #tpu.memory_space<hbm>>
      tpu.wait_dma2 semaphore(%run_scoped3A : memref<!tpu.dma_semaphore, #tpu.memory_space<semaphore_mem>>) src(%dma_wait3A_42 : memref<512xi32, #tpu.memory_space<hbm>>) dst(%arg5 : memref<512xi32, #tpu.memory_space<vmem>>)
      tpu.yield
    }) : () -> ()
    %dma_start3A = arith.constant 0 : i32
    %dma_start3A_3 = arith.constant 0 : i32
    %dma_start3A_4 = tpu.memref_slice %arg2[%dma_start3A, %dma_start3A_3] : memref<8192x64xf32, #tpu.memory_space<hbm>> -> memref<8192x64xf32, #tpu.memory_space<hbm>>
    tpu.enqueue_indirect_dma source(%dma_start3A_4 : memref<8192x64xf32, #tpu.memory_space<hbm>>) target(%arg7 : memref<512x64xf32, #tpu.memory_space<vmem>>) offsets(%arg5 : memref<512xi32, #tpu.memory_space<vmem>>) semaphore(%arg9 : memref<!tpu.dma_semaphore, #tpu.memory_space<semaphore_mem>>)
    %add3A_5 = arith.constant 512 : i32
    %add3A_6 = arith.addi %mul3A_2, %add3A_5 : i32
    "tpu.region"() ({
      %run_scoped3A = tpu.sem_alloc : memref<!tpu.dma_semaphore, #tpu.memory_space<semaphore_mem>>
      %dma_start3A_39 = tpu.memref_slice %arg3[%add3A_6] : memref<65536xi32, #tpu.memory_space<hbm>> -> memref<512xi32, #tpu.memory_space<hbm>>
      %dma_start3A_40 = tpu.memref_slice %arg3[%add3A_6] : memref<65536xi32, #tpu.memory_space<hbm>> -> memref<512xi32, #tpu.memory_space<hbm>>
      tpu.enqueue_dma source(%dma_start3A_40 : memref<512xi32, #tpu.memory_space<hbm>>) target(%arg6 : memref<512xi32, #tpu.memory_space<vmem>>) target_semaphore(%run_scoped3A : memref<!tpu.dma_semaphore, #tpu.memory_space<semaphore_mem>>)
      %dma_wait3A_41 = tpu.memref_slice %arg3[%add3A_6] : memref<65536xi32, #tpu.memory_space<hbm>> -> memref<512xi32, #tpu.memory_space<hbm>>
      %dma_wait3A_42 = tpu.memref_slice %arg3[%add3A_6] : memref<65536xi32, #tpu.memory_space<hbm>> -> memref<512xi32, #tpu.memory_space<hbm>>
      tpu.wait_dma2 semaphore(%run_scoped3A : memref<!tpu.dma_semaphore, #tpu.memory_space<semaphore_mem>>) src(%dma_wait3A_42 : memref<512xi32, #tpu.memory_space<hbm>>) dst(%arg6 : memref<512xi32, #tpu.memory_space<vmem>>)
      tpu.yield
    }) : () -> ()
    %dma_start3A_7 = arith.constant 0 : i32
    %dma_start3A_8 = arith.constant 0 : i32
    %dma_start3A_9 = tpu.memref_slice %arg2[%dma_start3A_7, %dma_start3A_8] : memref<8192x64xf32, #tpu.memory_space<hbm>> -> memref<8192x64xf32, #tpu.memory_space<hbm>>
    tpu.enqueue_indirect_dma source(%dma_start3A_9 : memref<8192x64xf32, #tpu.memory_space<hbm>>) target(%arg8 : memref<512x64xf32, #tpu.memory_space<vmem>>) offsets(%arg6 : memref<512xi32, #tpu.memory_space<vmem>>) semaphore(%arg10 : memref<!tpu.dma_semaphore, #tpu.memory_space<semaphore_mem>>)
    %dma_wait3A = arith.constant 0 : i32
    %dma_wait3A_10 = arith.constant 0 : i32
    %dma_wait3A_11 = tpu.memref_slice %arg2[%dma_wait3A, %dma_wait3A_10] : memref<8192x64xf32, #tpu.memory_space<hbm>> -> memref<8192x64xf32, #tpu.memory_space<hbm>>
    tpu.wait_indirect_dma semaphore(%arg9 : memref<!tpu.dma_semaphore, #tpu.memory_space<semaphore_mem>>) src(%dma_wait3A_11 : memref<8192x64xf32, #tpu.memory_space<hbm>>) dst(%arg7 : memref<512x64xf32, #tpu.memory_space<vmem>>)
    %add3A_12 = arith.constant 0 : i32
    %add3A_13 = arith.addi %mul3A_2, %add3A_12 : i32
    "tpu.region"() ({
      %run_scoped3A = tpu.sem_alloc : memref<!tpu.dma_semaphore, #tpu.memory_space<semaphore_mem>>
      %dma_start3A_39 = arith.constant 0 : i32
      %dma_start3A_40 = tpu.memref_slice %arg4[%add3A_13, %dma_start3A_39] : memref<65536x64xf32, #tpu.memory_space<hbm>> -> memref<512x64xf32, #tpu.memory_space<hbm>>
      %dma_start3A_41 = arith.constant 0 : i32
      %dma_start3A_42 = tpu.memref_slice %arg4[%add3A_13, %dma_start3A_41] : memref<65536x64xf32, #tpu.memory_space<hbm>> -> memref<512x64xf32, #tpu.memory_space<hbm>>
      tpu.enqueue_dma source(%arg7 : memref<512x64xf32, #tpu.memory_space<vmem>>) target(%dma_start3A_42 : memref<512x64xf32, #tpu.memory_space<hbm>>) target_semaphore(%run_scoped3A : memref<!tpu.dma_semaphore, #tpu.memory_space<semaphore_mem>>)
      %dma_wait3A_43 = arith.constant 0 : i32
      %dma_wait3A_44 = tpu.memref_slice %arg4[%add3A_13, %dma_wait3A_43] : memref<65536x64xf32, #tpu.memory_space<hbm>> -> memref<512x64xf32, #tpu.memory_space<hbm>>
      %dma_wait3A_45 = arith.constant 0 : i32
      %dma_wait3A_46 = tpu.memref_slice %arg4[%add3A_13, %dma_wait3A_45] : memref<65536x64xf32, #tpu.memory_space<hbm>> -> memref<512x64xf32, #tpu.memory_space<hbm>>
      tpu.wait_dma2 semaphore(%run_scoped3A : memref<!tpu.dma_semaphore, #tpu.memory_space<semaphore_mem>>) src(%arg7 : memref<512x64xf32, #tpu.memory_space<vmem>>) dst(%dma_wait3A_46 : memref<512x64xf32, #tpu.memory_space<hbm>>)
      tpu.yield
    }) : () -> ()
    %add3A_14 = arith.constant 1024 : i32
    %add3A_15 = arith.addi %mul3A_2, %add3A_14 : i32
    "tpu.region"() ({
      %run_scoped3A = tpu.sem_alloc : memref<!tpu.dma_semaphore, #tpu.memory_space<semaphore_mem>>
      %dma_start3A_39 = tpu.memref_slice %arg3[%add3A_15] : memref<65536xi32, #tpu.memory_space<hbm>> -> memref<512xi32, #tpu.memory_space<hbm>>
      %dma_start3A_40 = tpu.memref_slice %arg3[%add3A_15] : memref<65536xi32, #tpu.memory_space<hbm>> -> memref<512xi32, #tpu.memory_space<hbm>>
      tpu.enqueue_dma source(%dma_start3A_40 : memref<512xi32, #tpu.memory_space<hbm>>) target(%arg5 : memref<512xi32, #tpu.memory_space<vmem>>) target_semaphore(%run_scoped3A : memref<!tpu.dma_semaphore, #tpu.memory_space<semaphore_mem>>)
      %dma_wait3A_41 = tpu.memref_slice %arg3[%add3A_15] : memref<65536xi32, #tpu.memory_space<hbm>> -> memref<512xi32, #tpu.memory_space<hbm>>
      %dma_wait3A_42 = tpu.memref_slice %arg3[%add3A_15] : memref<65536xi32, #tpu.memory_space<hbm>> -> memref<512xi32, #tpu.memory_space<hbm>>
      tpu.wait_dma2 semaphore(%run_scoped3A : memref<!tpu.dma_semaphore, #tpu.memory_space<semaphore_mem>>) src(%dma_wait3A_42 : memref<512xi32, #tpu.memory_space<hbm>>) dst(%arg5 : memref<512xi32, #tpu.memory_space<vmem>>)
      tpu.yield
    }) : () -> ()
    %dma_start3A_16 = arith.constant 0 : i32
    %dma_start3A_17 = arith.constant 0 : i32
    %dma_start3A_18 = tpu.memref_slice %arg2[%dma_start3A_16, %dma_start3A_17] : memref<8192x64xf32, #tpu.memory_space<hbm>> -> memref<8192x64xf32, #tpu.memory_space<hbm>>
    tpu.enqueue_indirect_dma source(%dma_start3A_18 : memref<8192x64xf32, #tpu.memory_space<hbm>>) target(%arg7 : memref<512x64xf32, #tpu.memory_space<vmem>>) offsets(%arg5 : memref<512xi32, #tpu.memory_space<vmem>>) semaphore(%arg9 : memref<!tpu.dma_semaphore, #tpu.memory_space<semaphore_mem>>)
    %dma_wait3A_19 = arith.constant 0 : i32
    %dma_wait3A_20 = arith.constant 0 : i32
    %dma_wait3A_21 = tpu.memref_slice %arg2[%dma_wait3A_19, %dma_wait3A_20] : memref<8192x64xf32, #tpu.memory_space<hbm>> -> memref<8192x64xf32, #tpu.memory_space<hbm>>
    tpu.wait_indirect_dma semaphore(%arg10 : memref<!tpu.dma_semaphore, #tpu.memory_space<semaphore_mem>>) src(%dma_wait3A_21 : memref<8192x64xf32, #tpu.memory_space<hbm>>) dst(%arg8 : memref<512x64xf32, #tpu.memory_space<vmem>>)
    %add3A_22 = arith.constant 512 : i32
    %add3A_23 = arith.addi %mul3A_2, %add3A_22 : i32
    "tpu.region"() ({
      %run_scoped3A = tpu.sem_alloc : memref<!tpu.dma_semaphore, #tpu.memory_space<semaphore_mem>>
      %dma_start3A_39 = arith.constant 0 : i32
      %dma_start3A_40 = tpu.memref_slice %arg4[%add3A_23, %dma_start3A_39] : memref<65536x64xf32, #tpu.memory_space<hbm>> -> memref<512x64xf32, #tpu.memory_space<hbm>>
      %dma_start3A_41 = arith.constant 0 : i32
      %dma_start3A_42 = tpu.memref_slice %arg4[%add3A_23, %dma_start3A_41] : memref<65536x64xf32, #tpu.memory_space<hbm>> -> memref<512x64xf32, #tpu.memory_space<hbm>>
      tpu.enqueue_dma source(%arg8 : memref<512x64xf32, #tpu.memory_space<vmem>>) target(%dma_start3A_42 : memref<512x64xf32, #tpu.memory_space<hbm>>) target_semaphore(%run_scoped3A : memref<!tpu.dma_semaphore, #tpu.memory_space<semaphore_mem>>)
      %dma_wait3A_43 = arith.constant 0 : i32
      %dma_wait3A_44 = tpu.memref_slice %arg4[%add3A_23, %dma_wait3A_43] : memref<65536x64xf32, #tpu.memory_space<hbm>> -> memref<512x64xf32, #tpu.memory_space<hbm>>
      %dma_wait3A_45 = arith.constant 0 : i32
      %dma_wait3A_46 = tpu.memref_slice %arg4[%add3A_23, %dma_wait3A_45] : memref<65536x64xf32, #tpu.memory_space<hbm>> -> memref<512x64xf32, #tpu.memory_space<hbm>>
      tpu.wait_dma2 semaphore(%run_scoped3A : memref<!tpu.dma_semaphore, #tpu.memory_space<semaphore_mem>>) src(%arg8 : memref<512x64xf32, #tpu.memory_space<vmem>>) dst(%dma_wait3A_46 : memref<512x64xf32, #tpu.memory_space<hbm>>)
      tpu.yield
    }) : () -> ()
    %add3A_24 = arith.constant 1536 : i32
    %add3A_25 = arith.addi %mul3A_2, %add3A_24 : i32
    "tpu.region"() ({
      %run_scoped3A = tpu.sem_alloc : memref<!tpu.dma_semaphore, #tpu.memory_space<semaphore_mem>>
      %dma_start3A_39 = tpu.memref_slice %arg3[%add3A_25] : memref<65536xi32, #tpu.memory_space<hbm>> -> memref<512xi32, #tpu.memory_space<hbm>>
      %dma_start3A_40 = tpu.memref_slice %arg3[%add3A_25] : memref<65536xi32, #tpu.memory_space<hbm>> -> memref<512xi32, #tpu.memory_space<hbm>>
      tpu.enqueue_dma source(%dma_start3A_40 : memref<512xi32, #tpu.memory_space<hbm>>) target(%arg6 : memref<512xi32, #tpu.memory_space<vmem>>) target_semaphore(%run_scoped3A : memref<!tpu.dma_semaphore, #tpu.memory_space<semaphore_mem>>)
      %dma_wait3A_41 = tpu.memref_slice %arg3[%add3A_25] : memref<65536xi32, #tpu.memory_space<hbm>> -> memref<512xi32, #tpu.memory_space<hbm>>
      %dma_wait3A_42 = tpu.memref_slice %arg3[%add3A_25] : memref<65536xi32, #tpu.memory_space<hbm>> -> memref<512xi32, #tpu.memory_space<hbm>>
      tpu.wait_dma2 semaphore(%run_scoped3A : memref<!tpu.dma_semaphore, #tpu.memory_space<semaphore_mem>>) src(%dma_wait3A_42 : memref<512xi32, #tpu.memory_space<hbm>>) dst(%arg6 : memref<512xi32, #tpu.memory_space<vmem>>)
      tpu.yield
    }) : () -> ()
    %dma_start3A_26 = arith.constant 0 : i32
    %dma_start3A_27 = arith.constant 0 : i32
    %dma_start3A_28 = tpu.memref_slice %arg2[%dma_start3A_26, %dma_start3A_27] : memref<8192x64xf32, #tpu.memory_space<hbm>> -> memref<8192x64xf32, #tpu.memory_space<hbm>>
    tpu.enqueue_indirect_dma source(%dma_start3A_28 : memref<8192x64xf32, #tpu.memory_space<hbm>>) target(%arg8 : memref<512x64xf32, #tpu.memory_space<vmem>>) offsets(%arg6 : memref<512xi32, #tpu.memory_space<vmem>>) semaphore(%arg10 : memref<!tpu.dma_semaphore, #tpu.memory_space<semaphore_mem>>)
    %dma_wait3A_29 = arith.constant 0 : i32
    %dma_wait3A_30 = arith.constant 0 : i32
    %dma_wait3A_31 = tpu.memref_slice %arg2[%dma_wait3A_29, %dma_wait3A_30] : memref<8192x64xf32, #tpu.memory_space<hbm>> -> memref<8192x64xf32, #tpu.memory_space<hbm>>
    tpu.wait_indirect_dma semaphore(%arg9 : memref<!tpu.dma_semaphore, #tpu.memory_space<semaphore_mem>>) src(%dma_wait3A_31 : memref<8192x64xf32, #tpu.memory_space<hbm>>) dst(%arg7 : memref<512x64xf32, #tpu.memory_space<vmem>>)
    %add3A_32 = arith.constant 1024 : i32
    %add3A_33 = arith.addi %mul3A_2, %add3A_32 : i32
    "tpu.region"() ({
      %run_scoped3A = tpu.sem_alloc : memref<!tpu.dma_semaphore, #tpu.memory_space<semaphore_mem>>
      %dma_start3A_39 = arith.constant 0 : i32
      %dma_start3A_40 = tpu.memref_slice %arg4[%add3A_33, %dma_start3A_39] : memref<65536x64xf32, #tpu.memory_space<hbm>> -> memref<512x64xf32, #tpu.memory_space<hbm>>
      %dma_start3A_41 = arith.constant 0 : i32
      %dma_start3A_42 = tpu.memref_slice %arg4[%add3A_33, %dma_start3A_41] : memref<65536x64xf32, #tpu.memory_space<hbm>> -> memref<512x64xf32, #tpu.memory_space<hbm>>
      tpu.enqueue_dma source(%arg7 : memref<512x64xf32, #tpu.memory_space<vmem>>) target(%dma_start3A_42 : memref<512x64xf32, #tpu.memory_space<hbm>>) target_semaphore(%run_scoped3A : memref<!tpu.dma_semaphore, #tpu.memory_space<semaphore_mem>>)
      %dma_wait3A_43 = arith.constant 0 : i32
      %dma_wait3A_44 = tpu.memref_slice %arg4[%add3A_33, %dma_wait3A_43] : memref<65536x64xf32, #tpu.memory_space<hbm>> -> memref<512x64xf32, #tpu.memory_space<hbm>>
      %dma_wait3A_45 = arith.constant 0 : i32
      %dma_wait3A_46 = tpu.memref_slice %arg4[%add3A_33, %dma_wait3A_45] : memref<65536x64xf32, #tpu.memory_space<hbm>> -> memref<512x64xf32, #tpu.memory_space<hbm>>
      tpu.wait_dma2 semaphore(%run_scoped3A : memref<!tpu.dma_semaphore, #tpu.memory_space<semaphore_mem>>) src(%arg7 : memref<512x64xf32, #tpu.memory_space<vmem>>) dst(%dma_wait3A_46 : memref<512x64xf32, #tpu.memory_space<hbm>>)
      tpu.yield
    }) : () -> ()
    %dma_wait3A_34 = arith.constant 0 : i32
    %dma_wait3A_35 = arith.constant 0 : i32
    %dma_wait3A_36 = tpu.memref_slice %arg2[%dma_wait3A_34, %dma_wait3A_35] : memref<8192x64xf32, #tpu.memory_space<hbm>> -> memref<8192x64xf32, #tpu.memory_space<hbm>>
    tpu.wait_indirect_dma semaphore(%arg10 : memref<!tpu.dma_semaphore, #tpu.memory_space<semaphore_mem>>) src(%dma_wait3A_36 : memref<8192x64xf32, #tpu.memory_space<hbm>>) dst(%arg8 : memref<512x64xf32, #tpu.memory_space<vmem>>)
    %add3A_37 = arith.constant 1536 : i32
    %add3A_38 = arith.addi %mul3A_2, %add3A_37 : i32
    "tpu.region"() ({
      %run_scoped3A = tpu.sem_alloc : memref<!tpu.dma_semaphore, #tpu.memory_space<semaphore_mem>>
      %dma_start3A_39 = arith.constant 0 : i32
      %dma_start3A_40 = tpu.memref_slice %arg4[%add3A_38, %dma_start3A_39] : memref<65536x64xf32, #tpu.memory_space<hbm>> -> memref<512x64xf32, #tpu.memory_space<hbm>>
      %dma_start3A_41 = arith.constant 0 : i32
      %dma_start3A_42 = tpu.memref_slice %arg4[%add3A_38, %dma_start3A_41] : memref<65536x64xf32, #tpu.memory_space<hbm>> -> memref<512x64xf32, #tpu.memory_space<hbm>>
      tpu.enqueue_dma source(%arg8 : memref<512x64xf32, #tpu.memory_space<vmem>>) target(%dma_start3A_42 : memref<512x64xf32, #tpu.memory_space<hbm>>) target_semaphore(%run_scoped3A : memref<!tpu.dma_semaphore, #tpu.memory_space<semaphore_mem>>)
      %dma_wait3A_43 = arith.constant 0 : i32
      %dma_wait3A_44 = tpu.memref_slice %arg4[%add3A_38, %dma_wait3A_43] : memref<65536x64xf32, #tpu.memory_space<hbm>> -> memref<512x64xf32, #tpu.memory_space<hbm>>
      %dma_wait3A_45 = arith.constant 0 : i32
      %dma_wait3A_46 = tpu.memref_slice %arg4[%add3A_38, %dma_wait3A_45] : memref<65536x64xf32, #tpu.memory_space<hbm>> -> memref<512x64xf32, #tpu.memory_space<hbm>>
      tpu.wait_dma2 semaphore(%run_scoped3A : memref<!tpu.dma_semaphore, #tpu.memory_space<semaphore_mem>>) src(%arg8 : memref<512x64xf32, #tpu.memory_space<vmem>>) dst(%dma_wait3A_46 : memref<512x64xf32, #tpu.memory_space<hbm>>)
      tpu.yield
    }) : () -> ()
    return
  }
}

module attributes {stable_mosaic.version = 14 : i64} {
  func.func @_vq_body(%arg0: i32, %arg1: memref<512x256xf32, #tpu.memory_space<vmem>>, %arg2: memref<8192x64xf32, #tpu.memory_space<vmem>>, %arg3: memref<512x4xi32, #tpu.memory_space<vmem>>, %arg4: memref<512x4xi32, #tpu.memory_space<vmem>>, %arg5: memref<512x2048xf32, #tpu.memory_space<vmem>>, %arg6: memref<1x1xf32, #tpu.memory_space<vmem>>, %arg7: memref<8192x64xf32, #tpu.memory_space<vmem>>, %arg8: memref<1x2048xf32, #tpu.memory_space<vmem>>, %arg9: memref<4x2048xf32, #tpu.memory_space<vmem>>, %arg10: memref<1x2048xf32, #tpu.memory_space<vmem>>) attributes {dimension_semantics = [#tpu.dimension_semantics<arbitrary>], iteration_bounds = array<i64: 32>, scalar_prefetch = 0 : i64, scratch_operands = 3 : i64, tpu.core_type = #tpu.core_type<tc>, window_params = [{transform_indices = @transform_0, window_bounds = array<i64: 512, 256>}, {pipeline_mode = #tpu.pipeline_mode<synchronous>, transform_indices = @transform_1, window_bounds = array<i64: 8192, 64>}, {transform_indices = @transform_2, window_bounds = array<i64: 512, 4>}, {transform_indices = @transform_3, window_bounds = array<i64: 512, 4>}, {transform_indices = @transform_4, window_bounds = array<i64: 512, 2048>}, {pipeline_mode = #tpu.pipeline_mode<synchronous>, transform_indices = @transform_5, window_bounds = array<i64: 1, 1>}, {pipeline_mode = #tpu.pipeline_mode<synchronous>, transform_indices = @transform_6, window_bounds = array<i64: 8192, 64>}]} {
    %eq3A = arith.constant 0 : i32
    %eq3A_0 = arith.cmpi eq, %arg0, %eq3A : i32
    %convert_element_type3A = arith.extui %eq3A_0 : i1 to i32
    %cond3A = arith.constant 0 : i32
    %cond3A_1 = arith.cmpi ne, %convert_element_type3A, %cond3A : i32
    scf.if %cond3A_1 {
      %broadcast_in_dim3A_246 = arith.constant 0.000000e+00 : f32
      %broadcast_in_dim3A_247 = vector.broadcast %broadcast_in_dim3A_246 : f32 to vector<1x2048xf32>
      %swap3A_248 = arith.constant 0 : index
      %swap3A_249 = arith.constant 0 : index
      %swap3A_250 = vector.load %arg8[%swap3A_248, %swap3A_249] : memref<1x2048xf32, #tpu.memory_space<vmem>>, vector<1x2048xf32>
      tpu.vector_store %arg8[%swap3A_248, %swap3A_249], %broadcast_in_dim3A_247 {strides = array<i32>} : memref<1x2048xf32, #tpu.memory_space<vmem>>, vector<1x2048xf32>,
      %iota3A = tpu.iota {dimensions = array<i32: 1>} : vector<1x2048xi32>
      %convert_element_type3A_251 = arith.sitofp %iota3A : vector<1x2048xi32> to vector<1x2048xf32>
      %swap3A_252 = arith.constant 0 : index
      %swap3A_253 = arith.constant 0 : index
      %swap3A_254 = vector.load %arg10[%swap3A_252, %swap3A_253] : memref<1x2048xf32, #tpu.memory_space<vmem>>, vector<1x2048xf32>
      tpu.vector_store %arg10[%swap3A_252, %swap3A_253], %convert_element_type3A_251 {strides = array<i32>} : memref<1x2048xf32, #tpu.memory_space<vmem>>, vector<1x2048xf32>,
      %get3A_255 = arith.constant 0 : index
      %get3A_256 = arith.constant 0 : index
      %get3A_257 = vector.load %arg2[%get3A_255, %get3A_256] : memref<8192x64xf32, #tpu.memory_space<vmem>>, vector<8192x64xf32>
      %slice3A = vector.extract_strided_slice %get3A_257 {offsets = [0, 0], sizes = [2048, 64], strides = [1, 1]} : vector<8192x64xf32> to vector<2048x64xf32>
      %mul3A_258 = arith.mulf %slice3A, %slice3A : vector<2048x64xf32>
      %reduce_sum3A_259 = arith.constant dense<0.000000e+00> : vector<2048xf32>
      %reduce_sum3A_260 = vector.multi_reduction <add>, %mul3A_258, %reduce_sum3A_259 [1] : vector<2048x64xf32> to vector<2048xf32>
      %broadcast_in_dim3A_261 = vector.shape_cast %reduce_sum3A_260 : vector<2048xf32> to vector<2048x1xf32>
      %sqrt3A_262 = math.sqrt %broadcast_in_dim3A_261 : vector<2048x1xf32>
      %max3A_263 = arith.constant 9.99999996E-13 : f32
      %max3A_264 = vector.broadcast %max3A_263 : f32 to vector<2048x1xf32>
      %max3A_265 = arith.maximumf %sqrt3A_262, %max3A_264 : vector<2048x1xf32>
      %div3A_266 = vector.broadcast %max3A_265 : vector<2048x1xf32> to vector<2048x64xf32>
      %div3A_267 = arith.divf %slice3A, %div3A_266 : vector<2048x64xf32>
      %swap3A_268 = arith.constant 0 : index
      %swap3A_269 = arith.constant 0 : index
      %swap3A_270 = vector.load %arg7[%swap3A_268, %swap3A_269] : memref<8192x64xf32, #tpu.memory_space<vmem>>, vector<2048x64xf32>
      tpu.vector_store %arg7[%swap3A_268, %swap3A_269], %div3A_267 {strides = array<i32>} : memref<8192x64xf32, #tpu.memory_space<vmem>>, vector<2048x64xf32>,
      %mul3A_271 = arith.mulf %div3A_267, %div3A_267 : vector<2048x64xf32>
      %reduce_sum3A_272 = arith.constant dense<0.000000e+00> : vector<2048xf32>
      %reduce_sum3A_273 = vector.multi_reduction <add>, %mul3A_271, %reduce_sum3A_272 [1] : vector<2048x64xf32> to vector<2048xf32>
      %broadcast_in_dim3A_274 = vector.shape_cast %reduce_sum3A_273 : vector<2048xf32> to vector<2048x1xf32>
      %reshape3A = vector.shape_cast %broadcast_in_dim3A_274 : vector<2048x1xf32> to vector<1x2048xf32>
      %swap3A_275 = arith.constant 0 : index
      %swap3A_276 = arith.constant 0 : index
      %swap3A_277 = vector.load %arg9[%swap3A_275, %swap3A_276] : memref<4x2048xf32, #tpu.memory_space<vmem>>, vector<1x2048xf32>
      tpu.vector_store %arg9[%swap3A_275, %swap3A_276], %reshape3A {strides = array<i32>} : memref<4x2048xf32, #tpu.memory_space<vmem>>, vector<1x2048xf32>,
      %slice3A_278 = vector.extract_strided_slice %get3A_257 {offsets = [2048, 0], sizes = [2048, 64], strides = [1, 1]} : vector<8192x64xf32> to vector<2048x64xf32>
      %mul3A_279 = arith.mulf %slice3A_278, %slice3A_278 : vector<2048x64xf32>
      %reduce_sum3A_280 = arith.constant dense<0.000000e+00> : vector<2048xf32>
      %reduce_sum3A_281 = vector.multi_reduction <add>, %mul3A_279, %reduce_sum3A_280 [1] : vector<2048x64xf32> to vector<2048xf32>
      %broadcast_in_dim3A_282 = vector.shape_cast %reduce_sum3A_281 : vector<2048xf32> to vector<2048x1xf32>
      %sqrt3A_283 = math.sqrt %broadcast_in_dim3A_282 : vector<2048x1xf32>
      %max3A_284 = arith.constant 9.99999996E-13 : f32
      %max3A_285 = vector.broadcast %max3A_284 : f32 to vector<2048x1xf32>
      %max3A_286 = arith.maximumf %sqrt3A_283, %max3A_285 : vector<2048x1xf32>
      %div3A_287 = vector.broadcast %max3A_286 : vector<2048x1xf32> to vector<2048x64xf32>
      %div3A_288 = arith.divf %slice3A_278, %div3A_287 : vector<2048x64xf32>
      %swap3A_289 = arith.constant 2048 : index
      %swap3A_290 = arith.constant 0 : index
      %swap3A_291 = vector.load %arg7[%swap3A_289, %swap3A_290] : memref<8192x64xf32, #tpu.memory_space<vmem>>, vector<2048x64xf32>
      tpu.vector_store %arg7[%swap3A_289, %swap3A_290], %div3A_288 {strides = array<i32>} : memref<8192x64xf32, #tpu.memory_space<vmem>>, vector<2048x64xf32>,
      %mul3A_292 = arith.mulf %div3A_288, %div3A_288 : vector<2048x64xf32>
      %reduce_sum3A_293 = arith.constant dense<0.000000e+00> : vector<2048xf32>
      %reduce_sum3A_294 = vector.multi_reduction <add>, %mul3A_292, %reduce_sum3A_293 [1] : vector<2048x64xf32> to vector<2048xf32>
      %broadcast_in_dim3A_295 = vector.shape_cast %reduce_sum3A_294 : vector<2048xf32> to vector<2048x1xf32>
      %reshape3A_296 = vector.shape_cast %broadcast_in_dim3A_295 : vector<2048x1xf32> to vector<1x2048xf32>
      %swap3A_297 = arith.constant 1 : index
      %swap3A_298 = arith.constant 0 : index
      %swap3A_299 = vector.load %arg9[%swap3A_297, %swap3A_298] : memref<4x2048xf32, #tpu.memory_space<vmem>>, vector<1x2048xf32>
      tpu.vector_store %arg9[%swap3A_297, %swap3A_298], %reshape3A_296 {strides = array<i32>} : memref<4x2048xf32, #tpu.memory_space<vmem>>, vector<1x2048xf32>,
      %slice3A_300 = vector.extract_strided_slice %get3A_257 {offsets = [4096, 0], sizes = [2048, 64], strides = [1, 1]} : vector<8192x64xf32> to vector<2048x64xf32>
      %mul3A_301 = arith.mulf %slice3A_300, %slice3A_300 : vector<2048x64xf32>
      %reduce_sum3A_302 = arith.constant dense<0.000000e+00> : vector<2048xf32>
      %reduce_sum3A_303 = vector.multi_reduction <add>, %mul3A_301, %reduce_sum3A_302 [1] : vector<2048x64xf32> to vector<2048xf32>
      %broadcast_in_dim3A_304 = vector.shape_cast %reduce_sum3A_303 : vector<2048xf32> to vector<2048x1xf32>
      %sqrt3A_305 = math.sqrt %broadcast_in_dim3A_304 : vector<2048x1xf32>
      %max3A_306 = arith.constant 9.99999996E-13 : f32
      %max3A_307 = vector.broadcast %max3A_306 : f32 to vector<2048x1xf32>
      %max3A_308 = arith.maximumf %sqrt3A_305, %max3A_307 : vector<2048x1xf32>
      %div3A_309 = vector.broadcast %max3A_308 : vector<2048x1xf32> to vector<2048x64xf32>
      %div3A_310 = arith.divf %slice3A_300, %div3A_309 : vector<2048x64xf32>
      %swap3A_311 = arith.constant 4096 : index
      %swap3A_312 = arith.constant 0 : index
      %swap3A_313 = vector.load %arg7[%swap3A_311, %swap3A_312] : memref<8192x64xf32, #tpu.memory_space<vmem>>, vector<2048x64xf32>
      tpu.vector_store %arg7[%swap3A_311, %swap3A_312], %div3A_310 {strides = array<i32>} : memref<8192x64xf32, #tpu.memory_space<vmem>>, vector<2048x64xf32>,
      %mul3A_314 = arith.mulf %div3A_310, %div3A_310 : vector<2048x64xf32>
      %reduce_sum3A_315 = arith.constant dense<0.000000e+00> : vector<2048xf32>
      %reduce_sum3A_316 = vector.multi_reduction <add>, %mul3A_314, %reduce_sum3A_315 [1] : vector<2048x64xf32> to vector<2048xf32>
      %broadcast_in_dim3A_317 = vector.shape_cast %reduce_sum3A_316 : vector<2048xf32> to vector<2048x1xf32>
      %reshape3A_318 = vector.shape_cast %broadcast_in_dim3A_317 : vector<2048x1xf32> to vector<1x2048xf32>
      %swap3A_319 = arith.constant 2 : index
      %swap3A_320 = arith.constant 0 : index
      %swap3A_321 = vector.load %arg9[%swap3A_319, %swap3A_320] : memref<4x2048xf32, #tpu.memory_space<vmem>>, vector<1x2048xf32>
      tpu.vector_store %arg9[%swap3A_319, %swap3A_320], %reshape3A_318 {strides = array<i32>} : memref<4x2048xf32, #tpu.memory_space<vmem>>, vector<1x2048xf32>,
      %slice3A_322 = vector.extract_strided_slice %get3A_257 {offsets = [6144, 0], sizes = [2048, 64], strides = [1, 1]} : vector<8192x64xf32> to vector<2048x64xf32>
      %mul3A_323 = arith.mulf %slice3A_322, %slice3A_322 : vector<2048x64xf32>
      %reduce_sum3A_324 = arith.constant dense<0.000000e+00> : vector<2048xf32>
      %reduce_sum3A_325 = vector.multi_reduction <add>, %mul3A_323, %reduce_sum3A_324 [1] : vector<2048x64xf32> to vector<2048xf32>
      %broadcast_in_dim3A_326 = vector.shape_cast %reduce_sum3A_325 : vector<2048xf32> to vector<2048x1xf32>
      %sqrt3A_327 = math.sqrt %broadcast_in_dim3A_326 : vector<2048x1xf32>
      %max3A_328 = arith.constant 9.99999996E-13 : f32
      %max3A_329 = vector.broadcast %max3A_328 : f32 to vector<2048x1xf32>
      %max3A_330 = arith.maximumf %sqrt3A_327, %max3A_329 : vector<2048x1xf32>
      %div3A_331 = vector.broadcast %max3A_330 : vector<2048x1xf32> to vector<2048x64xf32>
      %div3A_332 = arith.divf %slice3A_322, %div3A_331 : vector<2048x64xf32>
      %swap3A_333 = arith.constant 6144 : index
      %swap3A_334 = arith.constant 0 : index
      %swap3A_335 = vector.load %arg7[%swap3A_333, %swap3A_334] : memref<8192x64xf32, #tpu.memory_space<vmem>>, vector<2048x64xf32>
      tpu.vector_store %arg7[%swap3A_333, %swap3A_334], %div3A_332 {strides = array<i32>} : memref<8192x64xf32, #tpu.memory_space<vmem>>, vector<2048x64xf32>,
      %mul3A_336 = arith.mulf %div3A_332, %div3A_332 : vector<2048x64xf32>
      %reduce_sum3A_337 = arith.constant dense<0.000000e+00> : vector<2048xf32>
      %reduce_sum3A_338 = vector.multi_reduction <add>, %mul3A_336, %reduce_sum3A_337 [1] : vector<2048x64xf32> to vector<2048xf32>
      %broadcast_in_dim3A_339 = vector.shape_cast %reduce_sum3A_338 : vector<2048xf32> to vector<2048x1xf32>
      %reshape3A_340 = vector.shape_cast %broadcast_in_dim3A_339 : vector<2048x1xf32> to vector<1x2048xf32>
      %swap3A_341 = arith.constant 3 : index
      %swap3A_342 = arith.constant 0 : index
      %swap3A_343 = vector.load %arg9[%swap3A_341, %swap3A_342] : memref<4x2048xf32, #tpu.memory_space<vmem>>, vector<1x2048xf32>
      tpu.vector_store %arg9[%swap3A_341, %swap3A_342], %reshape3A_340 {strides = array<i32>} : memref<4x2048xf32, #tpu.memory_space<vmem>>, vector<1x2048xf32>,
    } else {
    }
    %get3A = arith.constant 0 : index
    %get3A_2 = arith.constant 0 : index
    %get3A_3 = vector.load %arg1[%get3A, %get3A_2] : memref<512x256xf32, #tpu.memory_space<vmem>>, vector<512x64xf32>
    %mul3A = arith.mulf %get3A_3, %get3A_3 : vector<512x64xf32>
    %reduce_sum3A = arith.constant dense<0.000000e+00> : vector<512xf32>
    %reduce_sum3A_4 = vector.multi_reduction <add>, %mul3A, %reduce_sum3A [1] : vector<512x64xf32> to vector<512xf32>
    %broadcast_in_dim3A = vector.shape_cast %reduce_sum3A_4 : vector<512xf32> to vector<512x1xf32>
    %sqrt3A = math.sqrt %broadcast_in_dim3A : vector<512x1xf32>
    %max3A = arith.constant 9.99999996E-13 : f32
    %max3A_5 = vector.broadcast %max3A : f32 to vector<512x1xf32>
    %max3A_6 = arith.maximumf %sqrt3A, %max3A_5 : vector<512x1xf32>
    %div3A = vector.broadcast %max3A_6 : vector<512x1xf32> to vector<512x64xf32>
    %div3A_7 = arith.divf %get3A_3, %div3A : vector<512x64xf32>
    %get3A_8 = arith.constant 0 : index
    %get3A_9 = arith.constant 0 : index
    %get3A_10 = vector.load %arg7[%get3A_8, %get3A_9] : memref<8192x64xf32, #tpu.memory_space<vmem>>, vector<2048x64xf32>
    %add3A = arith.addf %div3A_7, %div3A_7 : vector<512x64xf32>
    %dot_general3A = arith.constant dense<0.000000e+00> : vector<512x2048xf32>
    %dot_general3A_11 = tpu.matmul %add3A, %get3A_10, %dot_general3A {dimension_numbers = #tpu.dot_dimension_numbers<[1], [1], [0], [0], [0, 0, 1, 0], [], []>, transpose_lhs_hint = false} : vector<512x64xf32>, vector<2048x64xf32>, vector<512x2048xf32> -> vector<512x2048xf32>
    %mul3A_12 = arith.mulf %div3A_7, %div3A_7 : vector<512x64xf32>
    %reduce_sum3A_13 = arith.constant dense<0.000000e+00> : vector<512xf32>
    %reduce_sum3A_14 = vector.multi_reduction <add>, %mul3A_12, %reduce_sum3A_13 [1] : vector<512x64xf32> to vector<512xf32>
    %broadcast_in_dim3A_15 = vector.shape_cast %reduce_sum3A_14 : vector<512xf32> to vector<512x1xf32>
    %neg3A = arith.constant 0.000000e+00 : f32
    %neg3A_16 = vector.broadcast %neg3A : f32 to vector<512x1xf32>
    %neg3A_17 = arith.subf %neg3A_16, %broadcast_in_dim3A_15 : vector<512x1xf32>
    %get3A_18 = arith.constant 0 : index
    %get3A_19 = arith.constant 0 : index
    %get3A_20 = vector.load %arg9[%get3A_18, %get3A_19] : memref<4x2048xf32, #tpu.memory_space<vmem>>, vector<1x2048xf32>
    %sub3A = vector.broadcast %neg3A_17 : vector<512x1xf32> to vector<512x2048xf32>
    %sub3A_21 = vector.broadcast %get3A_20 : vector<1x2048xf32> to vector<512x2048xf32>
    %sub3A_22 = arith.subf %sub3A, %sub3A_21 : vector<512x2048xf32>
    %add3A_23 = arith.addf %sub3A_22, %dot_general3A_11 : vector<512x2048xf32>
    %reduce_max3A = arith.constant dense<0xFF800000> : vector<512xf32>
    %reduce_max3A_24 = vector.multi_reduction <maximumf>, %add3A_23, %reduce_max3A [1] : vector<512x2048xf32> to vector<512xf32>
    %broadcast_in_dim3A_25 = vector.shape_cast %reduce_max3A_24 : vector<512xf32> to vector<512x1xf32>
    %get3A_26 = arith.constant 0 : index
    %get3A_27 = arith.constant 0 : index
    %get3A_28 = vector.load %arg10[%get3A_26, %get3A_27] : memref<1x2048xf32, #tpu.memory_space<vmem>>, vector<1x2048xf32>
    %ge3A = vector.broadcast %broadcast_in_dim3A_25 : vector<512x1xf32> to vector<512x2048xf32>
    %ge3A_29 = arith.cmpf oge, %add3A_23, %ge3A : vector<512x2048xf32>
    %jit3A = arith.constant -1.000000e+00 : f32
    %broadcast_in_dim3A_30 = vector.shape_cast %get3A_28 : vector<1x2048xf32> to vector<1x2048xf32>
    %broadcast_in_dim3A_31 = vector.broadcast %broadcast_in_dim3A_30 : vector<1x2048xf32> to vector<512x2048xf32>
    %broadcast_in_dim3A_32 = vector.broadcast %jit3A : f32 to vector<512x2048xf32>
    %select_n3A = arith.select %ge3A_29, %broadcast_in_dim3A_31, %broadcast_in_dim3A_32 : vector<512x2048xi1>, vector<512x2048xf32>
    %reduce_max3A_33 = arith.constant dense<0xFF800000> : vector<512xf32>
    %reduce_max3A_34 = vector.multi_reduction <maximumf>, %select_n3A, %reduce_max3A_33 [1] : vector<512x2048xf32> to vector<512xf32>
    %broadcast_in_dim3A_35 = vector.shape_cast %reduce_max3A_34 : vector<512xf32> to vector<512x1xf32>
    %convert_element_type3A_36 = arith.fptosi %broadcast_in_dim3A_35 : vector<512x1xf32> to vector<512x1xi32>
    %swap3A = arith.constant 0 : index
    %swap3A_37 = arith.constant 0 : index
    %swap3A_38 = vector.load %arg3[%swap3A, %swap3A_37] : memref<512x4xi32, #tpu.memory_space<vmem>>, vector<512x1xi32>
    tpu.vector_store %arg3[%swap3A, %swap3A_37], %convert_element_type3A_36 {strides = array<i32>} : memref<512x4xi32, #tpu.memory_space<vmem>>, vector<512x1xi32>,
    %add3A_39 = arith.constant 0 : i32
    %add3A_40 = vector.broadcast %add3A_39 : i32 to vector<512x1xi32>
    %add3A_41 = arith.addi %convert_element_type3A_36, %add3A_40 : vector<512x1xi32>
    %swap3A_42 = arith.constant 0 : index
    %swap3A_43 = arith.constant 0 : index
    %swap3A_44 = vector.load %arg4[%swap3A_42, %swap3A_43] : memref<512x4xi32, #tpu.memory_space<vmem>>, vector<512x1xi32>
    tpu.vector_store %arg4[%swap3A_42, %swap3A_43], %add3A_41 {strides = array<i32>} : memref<512x4xi32, #tpu.memory_space<vmem>>, vector<512x1xi32>,
    %get3A_45 = arith.constant 0 : index
    %get3A_46 = arith.constant 64 : index
    %get3A_47 = vector.load %arg1[%get3A_45, %get3A_46] : memref<512x256xf32, #tpu.memory_space<vmem>>, vector<512x64xf32>
    %mul3A_48 = arith.mulf %get3A_47, %get3A_47 : vector<512x64xf32>
    %reduce_sum3A_49 = arith.constant dense<0.000000e+00> : vector<512xf32>
    %reduce_sum3A_50 = vector.multi_reduction <add>, %mul3A_48, %reduce_sum3A_49 [1] : vector<512x64xf32> to vector<512xf32>
    %broadcast_in_dim3A_51 = vector.shape_cast %reduce_sum3A_50 : vector<512xf32> to vector<512x1xf32>
    %sqrt3A_52 = math.sqrt %broadcast_in_dim3A_51 : vector<512x1xf32>
    %max3A_53 = arith.constant 9.99999996E-13 : f32
    %max3A_54 = vector.broadcast %max3A_53 : f32 to vector<512x1xf32>
    %max3A_55 = arith.maximumf %sqrt3A_52, %max3A_54 : vector<512x1xf32>
    %div3A_56 = vector.broadcast %max3A_55 : vector<512x1xf32> to vector<512x64xf32>
    %div3A_57 = arith.divf %get3A_47, %div3A_56 : vector<512x64xf32>
    %get3A_58 = arith.constant 2048 : index
    %get3A_59 = arith.constant 0 : index
    %get3A_60 = vector.load %arg7[%get3A_58, %get3A_59] : memref<8192x64xf32, #tpu.memory_space<vmem>>, vector<2048x64xf32>
    %add3A_61 = arith.addf %div3A_57, %div3A_57 : vector<512x64xf32>
    %dot_general3A_62 = arith.constant dense<0.000000e+00> : vector<512x2048xf32>
    %dot_general3A_63 = tpu.matmul %add3A_61, %get3A_60, %dot_general3A_62 {dimension_numbers = #tpu.dot_dimension_numbers<[1], [1], [0], [0], [0, 0, 1, 0], [], []>, transpose_lhs_hint = false} : vector<512x64xf32>, vector<2048x64xf32>, vector<512x2048xf32> -> vector<512x2048xf32>
    %mul3A_64 = arith.mulf %div3A_57, %div3A_57 : vector<512x64xf32>
    %reduce_sum3A_65 = arith.constant dense<0.000000e+00> : vector<512xf32>
    %reduce_sum3A_66 = vector.multi_reduction <add>, %mul3A_64, %reduce_sum3A_65 [1] : vector<512x64xf32> to vector<512xf32>
    %broadcast_in_dim3A_67 = vector.shape_cast %reduce_sum3A_66 : vector<512xf32> to vector<512x1xf32>
    %neg3A_68 = arith.constant 0.000000e+00 : f32
    %neg3A_69 = vector.broadcast %neg3A_68 : f32 to vector<512x1xf32>
    %neg3A_70 = arith.subf %neg3A_69, %broadcast_in_dim3A_67 : vector<512x1xf32>
    %get3A_71 = arith.constant 1 : index
    %get3A_72 = arith.constant 0 : index
    %get3A_73 = vector.load %arg9[%get3A_71, %get3A_72] : memref<4x2048xf32, #tpu.memory_space<vmem>>, vector<1x2048xf32>
    %sub3A_74 = vector.broadcast %neg3A_70 : vector<512x1xf32> to vector<512x2048xf32>
    %sub3A_75 = vector.broadcast %get3A_73 : vector<1x2048xf32> to vector<512x2048xf32>
    %sub3A_76 = arith.subf %sub3A_74, %sub3A_75 : vector<512x2048xf32>
    %add3A_77 = arith.addf %sub3A_76, %dot_general3A_63 : vector<512x2048xf32>
    %reduce_max3A_78 = arith.constant dense<0xFF800000> : vector<512xf32>
    %reduce_max3A_79 = vector.multi_reduction <maximumf>, %add3A_77, %reduce_max3A_78 [1] : vector<512x2048xf32> to vector<512xf32>
    %broadcast_in_dim3A_80 = vector.shape_cast %reduce_max3A_79 : vector<512xf32> to vector<512x1xf32>
    %get3A_81 = arith.constant 0 : index
    %get3A_82 = arith.constant 0 : index
    %get3A_83 = vector.load %arg10[%get3A_81, %get3A_82] : memref<1x2048xf32, #tpu.memory_space<vmem>>, vector<1x2048xf32>
    %ge3A_84 = vector.broadcast %broadcast_in_dim3A_80 : vector<512x1xf32> to vector<512x2048xf32>
    %ge3A_85 = arith.cmpf oge, %add3A_77, %ge3A_84 : vector<512x2048xf32>
    %jit3A_86 = arith.constant -1.000000e+00 : f32
    %broadcast_in_dim3A_87 = vector.shape_cast %get3A_83 : vector<1x2048xf32> to vector<1x2048xf32>
    %broadcast_in_dim3A_88 = vector.broadcast %broadcast_in_dim3A_87 : vector<1x2048xf32> to vector<512x2048xf32>
    %broadcast_in_dim3A_89 = vector.broadcast %jit3A_86 : f32 to vector<512x2048xf32>
    %select_n3A_90 = arith.select %ge3A_85, %broadcast_in_dim3A_88, %broadcast_in_dim3A_89 : vector<512x2048xi1>, vector<512x2048xf32>
    %reduce_max3A_91 = arith.constant dense<0xFF800000> : vector<512xf32>
    %reduce_max3A_92 = vector.multi_reduction <maximumf>, %select_n3A_90, %reduce_max3A_91 [1] : vector<512x2048xf32> to vector<512xf32>
    %broadcast_in_dim3A_93 = vector.shape_cast %reduce_max3A_92 : vector<512xf32> to vector<512x1xf32>
    %convert_element_type3A_94 = arith.fptosi %broadcast_in_dim3A_93 : vector<512x1xf32> to vector<512x1xi32>
    %swap3A_95 = arith.constant 0 : index
    %swap3A_96 = arith.constant 1 : index
    %swap3A_97 = vector.load %arg3[%swap3A_95, %swap3A_96] : memref<512x4xi32, #tpu.memory_space<vmem>>, vector<512x1xi32>
    tpu.vector_store %arg3[%swap3A_95, %swap3A_96], %convert_element_type3A_94 {strides = array<i32>} : memref<512x4xi32, #tpu.memory_space<vmem>>, vector<512x1xi32>,
    %add3A_98 = arith.constant 2048 : i32
    %add3A_99 = vector.broadcast %add3A_98 : i32 to vector<512x1xi32>
    %add3A_100 = arith.addi %convert_element_type3A_94, %add3A_99 : vector<512x1xi32>
    %swap3A_101 = arith.constant 0 : index
    %swap3A_102 = arith.constant 1 : index
    %swap3A_103 = vector.load %arg4[%swap3A_101, %swap3A_102] : memref<512x4xi32, #tpu.memory_space<vmem>>, vector<512x1xi32>
    tpu.vector_store %arg4[%swap3A_101, %swap3A_102], %add3A_100 {strides = array<i32>} : memref<512x4xi32, #tpu.memory_space<vmem>>, vector<512x1xi32>,
    %get3A_104 = arith.constant 0 : index
    %get3A_105 = arith.constant 128 : index
    %get3A_106 = vector.load %arg1[%get3A_104, %get3A_105] : memref<512x256xf32, #tpu.memory_space<vmem>>, vector<512x64xf32>
    %mul3A_107 = arith.mulf %get3A_106, %get3A_106 : vector<512x64xf32>
    %reduce_sum3A_108 = arith.constant dense<0.000000e+00> : vector<512xf32>
    %reduce_sum3A_109 = vector.multi_reduction <add>, %mul3A_107, %reduce_sum3A_108 [1] : vector<512x64xf32> to vector<512xf32>
    %broadcast_in_dim3A_110 = vector.shape_cast %reduce_sum3A_109 : vector<512xf32> to vector<512x1xf32>
    %sqrt3A_111 = math.sqrt %broadcast_in_dim3A_110 : vector<512x1xf32>
    %max3A_112 = arith.constant 9.99999996E-13 : f32
    %max3A_113 = vector.broadcast %max3A_112 : f32 to vector<512x1xf32>
    %max3A_114 = arith.maximumf %sqrt3A_111, %max3A_113 : vector<512x1xf32>
    %div3A_115 = vector.broadcast %max3A_114 : vector<512x1xf32> to vector<512x64xf32>
    %div3A_116 = arith.divf %get3A_106, %div3A_115 : vector<512x64xf32>
    %get3A_117 = arith.constant 4096 : index
    %get3A_118 = arith.constant 0 : index
    %get3A_119 = vector.load %arg7[%get3A_117, %get3A_118] : memref<8192x64xf32, #tpu.memory_space<vmem>>, vector<2048x64xf32>
    %add3A_120 = arith.addf %div3A_116, %div3A_116 : vector<512x64xf32>
    %dot_general3A_121 = arith.constant dense<0.000000e+00> : vector<512x2048xf32>
    %dot_general3A_122 = tpu.matmul %add3A_120, %get3A_119, %dot_general3A_121 {dimension_numbers = #tpu.dot_dimension_numbers<[1], [1], [0], [0], [0, 0, 1, 0], [], []>, transpose_lhs_hint = false} : vector<512x64xf32>, vector<2048x64xf32>, vector<512x2048xf32> -> vector<512x2048xf32>
    %mul3A_123 = arith.mulf %div3A_116, %div3A_116 : vector<512x64xf32>
    %reduce_sum3A_124 = arith.constant dense<0.000000e+00> : vector<512xf32>
    %reduce_sum3A_125 = vector.multi_reduction <add>, %mul3A_123, %reduce_sum3A_124 [1] : vector<512x64xf32> to vector<512xf32>
    %broadcast_in_dim3A_126 = vector.shape_cast %reduce_sum3A_125 : vector<512xf32> to vector<512x1xf32>
    %neg3A_127 = arith.constant 0.000000e+00 : f32
    %neg3A_128 = vector.broadcast %neg3A_127 : f32 to vector<512x1xf32>
    %neg3A_129 = arith.subf %neg3A_128, %broadcast_in_dim3A_126 : vector<512x1xf32>
    %get3A_130 = arith.constant 2 : index
    %get3A_131 = arith.constant 0 : index
    %get3A_132 = vector.load %arg9[%get3A_130, %get3A_131] : memref<4x2048xf32, #tpu.memory_space<vmem>>, vector<1x2048xf32>
    %sub3A_133 = vector.broadcast %neg3A_129 : vector<512x1xf32> to vector<512x2048xf32>
    %sub3A_134 = vector.broadcast %get3A_132 : vector<1x2048xf32> to vector<512x2048xf32>
    %sub3A_135 = arith.subf %sub3A_133, %sub3A_134 : vector<512x2048xf32>
    %add3A_136 = arith.addf %sub3A_135, %dot_general3A_122 : vector<512x2048xf32>
    %reduce_max3A_137 = arith.constant dense<0xFF800000> : vector<512xf32>
    %reduce_max3A_138 = vector.multi_reduction <maximumf>, %add3A_136, %reduce_max3A_137 [1] : vector<512x2048xf32> to vector<512xf32>
    %broadcast_in_dim3A_139 = vector.shape_cast %reduce_max3A_138 : vector<512xf32> to vector<512x1xf32>
    %get3A_140 = arith.constant 0 : index
    %get3A_141 = arith.constant 0 : index
    %get3A_142 = vector.load %arg10[%get3A_140, %get3A_141] : memref<1x2048xf32, #tpu.memory_space<vmem>>, vector<1x2048xf32>
    %ge3A_143 = vector.broadcast %broadcast_in_dim3A_139 : vector<512x1xf32> to vector<512x2048xf32>
    %ge3A_144 = arith.cmpf oge, %add3A_136, %ge3A_143 : vector<512x2048xf32>
    %jit3A_145 = arith.constant -1.000000e+00 : f32
    %broadcast_in_dim3A_146 = vector.shape_cast %get3A_142 : vector<1x2048xf32> to vector<1x2048xf32>
    %broadcast_in_dim3A_147 = vector.broadcast %broadcast_in_dim3A_146 : vector<1x2048xf32> to vector<512x2048xf32>
    %broadcast_in_dim3A_148 = vector.broadcast %jit3A_145 : f32 to vector<512x2048xf32>
    %select_n3A_149 = arith.select %ge3A_144, %broadcast_in_dim3A_147, %broadcast_in_dim3A_148 : vector<512x2048xi1>, vector<512x2048xf32>
    %reduce_max3A_150 = arith.constant dense<0xFF800000> : vector<512xf32>
    %reduce_max3A_151 = vector.multi_reduction <maximumf>, %select_n3A_149, %reduce_max3A_150 [1] : vector<512x2048xf32> to vector<512xf32>
    %broadcast_in_dim3A_152 = vector.shape_cast %reduce_max3A_151 : vector<512xf32> to vector<512x1xf32>
    %convert_element_type3A_153 = arith.fptosi %broadcast_in_dim3A_152 : vector<512x1xf32> to vector<512x1xi32>
    %swap3A_154 = arith.constant 0 : index
    %swap3A_155 = arith.constant 2 : index
    %swap3A_156 = vector.load %arg3[%swap3A_154, %swap3A_155] : memref<512x4xi32, #tpu.memory_space<vmem>>, vector<512x1xi32>
    tpu.vector_store %arg3[%swap3A_154, %swap3A_155], %convert_element_type3A_153 {strides = array<i32>} : memref<512x4xi32, #tpu.memory_space<vmem>>, vector<512x1xi32>,
    %add3A_157 = arith.constant 4096 : i32
    %add3A_158 = vector.broadcast %add3A_157 : i32 to vector<512x1xi32>
    %add3A_159 = arith.addi %convert_element_type3A_153, %add3A_158 : vector<512x1xi32>
    %swap3A_160 = arith.constant 0 : index
    %swap3A_161 = arith.constant 2 : index
    %swap3A_162 = vector.load %arg4[%swap3A_160, %swap3A_161] : memref<512x4xi32, #tpu.memory_space<vmem>>, vector<512x1xi32>
    tpu.vector_store %arg4[%swap3A_160, %swap3A_161], %add3A_159 {strides = array<i32>} : memref<512x4xi32, #tpu.memory_space<vmem>>, vector<512x1xi32>,
    %get3A_163 = arith.constant 0 : index
    %get3A_164 = arith.constant 192 : index
    %get3A_165 = vector.load %arg1[%get3A_163, %get3A_164] : memref<512x256xf32, #tpu.memory_space<vmem>>, vector<512x64xf32>
    %mul3A_166 = arith.mulf %get3A_165, %get3A_165 : vector<512x64xf32>
    %reduce_sum3A_167 = arith.constant dense<0.000000e+00> : vector<512xf32>
    %reduce_sum3A_168 = vector.multi_reduction <add>, %mul3A_166, %reduce_sum3A_167 [1] : vector<512x64xf32> to vector<512xf32>
    %broadcast_in_dim3A_169 = vector.shape_cast %reduce_sum3A_168 : vector<512xf32> to vector<512x1xf32>
    %sqrt3A_170 = math.sqrt %broadcast_in_dim3A_169 : vector<512x1xf32>
    %max3A_171 = arith.constant 9.99999996E-13 : f32
    %max3A_172 = vector.broadcast %max3A_171 : f32 to vector<512x1xf32>
    %max3A_173 = arith.maximumf %sqrt3A_170, %max3A_172 : vector<512x1xf32>
    %div3A_174 = vector.broadcast %max3A_173 : vector<512x1xf32> to vector<512x64xf32>
    %div3A_175 = arith.divf %get3A_165, %div3A_174 : vector<512x64xf32>
    %get3A_176 = arith.constant 6144 : index
    %get3A_177 = arith.constant 0 : index
    %get3A_178 = vector.load %arg7[%get3A_176, %get3A_177] : memref<8192x64xf32, #tpu.memory_space<vmem>>, vector<2048x64xf32>
    %add3A_179 = arith.addf %div3A_175, %div3A_175 : vector<512x64xf32>
    %dot_general3A_180 = arith.constant dense<0.000000e+00> : vector<512x2048xf32>
    %dot_general3A_181 = tpu.matmul %add3A_179, %get3A_178, %dot_general3A_180 {dimension_numbers = #tpu.dot_dimension_numbers<[1], [1], [0], [0], [0, 0, 1, 0], [], []>, transpose_lhs_hint = false} : vector<512x64xf32>, vector<2048x64xf32>, vector<512x2048xf32> -> vector<512x2048xf32>
    %mul3A_182 = arith.mulf %div3A_175, %div3A_175 : vector<512x64xf32>
    %reduce_sum3A_183 = arith.constant dense<0.000000e+00> : vector<512xf32>
    %reduce_sum3A_184 = vector.multi_reduction <add>, %mul3A_182, %reduce_sum3A_183 [1] : vector<512x64xf32> to vector<512xf32>
    %broadcast_in_dim3A_185 = vector.shape_cast %reduce_sum3A_184 : vector<512xf32> to vector<512x1xf32>
    %neg3A_186 = arith.constant 0.000000e+00 : f32
    %neg3A_187 = vector.broadcast %neg3A_186 : f32 to vector<512x1xf32>
    %neg3A_188 = arith.subf %neg3A_187, %broadcast_in_dim3A_185 : vector<512x1xf32>
    %get3A_189 = arith.constant 3 : index
    %get3A_190 = arith.constant 0 : index
    %get3A_191 = vector.load %arg9[%get3A_189, %get3A_190] : memref<4x2048xf32, #tpu.memory_space<vmem>>, vector<1x2048xf32>
    %sub3A_192 = vector.broadcast %neg3A_188 : vector<512x1xf32> to vector<512x2048xf32>
    %sub3A_193 = vector.broadcast %get3A_191 : vector<1x2048xf32> to vector<512x2048xf32>
    %sub3A_194 = arith.subf %sub3A_192, %sub3A_193 : vector<512x2048xf32>
    %add3A_195 = arith.addf %sub3A_194, %dot_general3A_181 : vector<512x2048xf32>
    %reduce_max3A_196 = arith.constant dense<0xFF800000> : vector<512xf32>
    %reduce_max3A_197 = vector.multi_reduction <maximumf>, %add3A_195, %reduce_max3A_196 [1] : vector<512x2048xf32> to vector<512xf32>
    %broadcast_in_dim3A_198 = vector.shape_cast %reduce_max3A_197 : vector<512xf32> to vector<512x1xf32>
    %get3A_199 = arith.constant 0 : index
    %get3A_200 = arith.constant 0 : index
    %get3A_201 = vector.load %arg10[%get3A_199, %get3A_200] : memref<1x2048xf32, #tpu.memory_space<vmem>>, vector<1x2048xf32>
    %ge3A_202 = vector.broadcast %broadcast_in_dim3A_198 : vector<512x1xf32> to vector<512x2048xf32>
    %ge3A_203 = arith.cmpf oge, %add3A_195, %ge3A_202 : vector<512x2048xf32>
    %jit3A_204 = arith.constant -1.000000e+00 : f32
    %broadcast_in_dim3A_205 = vector.shape_cast %get3A_201 : vector<1x2048xf32> to vector<1x2048xf32>
    %broadcast_in_dim3A_206 = vector.broadcast %broadcast_in_dim3A_205 : vector<1x2048xf32> to vector<512x2048xf32>
    %broadcast_in_dim3A_207 = vector.broadcast %jit3A_204 : f32 to vector<512x2048xf32>
    %select_n3A_208 = arith.select %ge3A_203, %broadcast_in_dim3A_206, %broadcast_in_dim3A_207 : vector<512x2048xi1>, vector<512x2048xf32>
    %reduce_max3A_209 = arith.constant dense<0xFF800000> : vector<512xf32>
    %reduce_max3A_210 = vector.multi_reduction <maximumf>, %select_n3A_208, %reduce_max3A_209 [1] : vector<512x2048xf32> to vector<512xf32>
    %broadcast_in_dim3A_211 = vector.shape_cast %reduce_max3A_210 : vector<512xf32> to vector<512x1xf32>
    %convert_element_type3A_212 = arith.fptosi %broadcast_in_dim3A_211 : vector<512x1xf32> to vector<512x1xi32>
    %swap3A_213 = arith.constant 0 : index
    %swap3A_214 = arith.constant 3 : index
    %swap3A_215 = vector.load %arg3[%swap3A_213, %swap3A_214] : memref<512x4xi32, #tpu.memory_space<vmem>>, vector<512x1xi32>
    tpu.vector_store %arg3[%swap3A_213, %swap3A_214], %convert_element_type3A_212 {strides = array<i32>} : memref<512x4xi32, #tpu.memory_space<vmem>>, vector<512x1xi32>,
    %add3A_216 = arith.constant 6144 : i32
    %add3A_217 = vector.broadcast %add3A_216 : i32 to vector<512x1xi32>
    %add3A_218 = arith.addi %convert_element_type3A_212, %add3A_217 : vector<512x1xi32>
    %swap3A_219 = arith.constant 0 : index
    %swap3A_220 = arith.constant 3 : index
    %swap3A_221 = vector.load %arg4[%swap3A_219, %swap3A_220] : memref<512x4xi32, #tpu.memory_space<vmem>>, vector<512x1xi32>
    tpu.vector_store %arg4[%swap3A_219, %swap3A_220], %add3A_218 {strides = array<i32>} : memref<512x4xi32, #tpu.memory_space<vmem>>, vector<512x1xi32>,
    %eq3A_222 = vector.broadcast %get3A_201 : vector<1x2048xf32> to vector<512x2048xf32>
    %eq3A_223 = vector.broadcast %broadcast_in_dim3A_211 : vector<512x1xf32> to vector<512x2048xf32>
    %eq3A_224 = arith.cmpf oeq, %eq3A_222, %eq3A_223 : vector<512x2048xf32>
    %convert_element_type3A_225 = arith.extui %eq3A_224 : vector<512x2048xi1> to vector<512x2048xi32>
    %convert_element_type3A_226 = arith.sitofp %convert_element_type3A_225 : vector<512x2048xi32> to vector<512x2048xf32>
    %swap3A_227 = arith.constant 0 : index
    %swap3A_228 = arith.constant 0 : index
    %swap3A_229 = vector.load %arg5[%swap3A_227, %swap3A_228] : memref<512x2048xf32, #tpu.memory_space<vmem>>, vector<512x2048xf32>
    tpu.vector_store %arg5[%swap3A_227, %swap3A_228], %convert_element_type3A_226 {strides = array<i32>} : memref<512x2048xf32, #tpu.memory_space<vmem>>, vector<512x2048xf32>,
    %broadcast_in_dim3A_230 = arith.constant 1.000000e+00 : f32
    %broadcast_in_dim3A_231 = vector.broadcast %broadcast_in_dim3A_230 : f32 to vector<1x512xf32>
    %get3A_232 = arith.constant 0 : index
    %get3A_233 = arith.constant 0 : index
    %get3A_234 = vector.load %arg8[%get3A_232, %get3A_233] : memref<1x2048xf32, #tpu.memory_space<vmem>>, vector<1x2048xf32>
    %dot_general3A_235 = arith.constant dense<0.000000e+00> : vector<1x2048xf32>
    %dot_general3A_236 = tpu.matmul %broadcast_in_dim3A_231, %convert_element_type3A_226, %dot_general3A_235 {dimension_numbers = #tpu.dot_dimension_numbers<[1], [0], [0], [1], [0, 0, 1, 1], [], []>, transpose_lhs_hint = false} : vector<1x512xf32>, vector<512x2048xf32>, vector<1x2048xf32> -> vector<1x2048xf32>
    %add3A_237 = arith.addf %get3A_234, %dot_general3A_236 : vector<1x2048xf32>
    %swap3A_238 = arith.constant 0 : index
    %swap3A_239 = arith.constant 0 : index
    %swap3A_240 = vector.load %arg8[%swap3A_238, %swap3A_239] : memref<1x2048xf32, #tpu.memory_space<vmem>>, vector<1x2048xf32>
    tpu.vector_store %arg8[%swap3A_238, %swap3A_239], %add3A_237 {strides = array<i32>} : memref<1x2048xf32, #tpu.memory_space<vmem>>, vector<1x2048xf32>,
    %eq3A_241 = arith.constant 31 : i32
    %eq3A_242 = arith.cmpi eq, %arg0, %eq3A_241 : i32
    %convert_element_type3A_243 = arith.extui %eq3A_242 : i1 to i32
    %cond3A_244 = arith.constant 0 : i32
    %cond3A_245 = arith.cmpi ne, %convert_element_type3A_243, %cond3A_244 : i32
    scf.if %cond3A_245 {
      %get3A_246 = arith.constant 0 : index
      %get3A_247 = arith.constant 0 : index
      %get3A_248 = vector.load %arg8[%get3A_246, %get3A_247] : memref<1x2048xf32, #tpu.memory_space<vmem>>, vector<1x2048xf32>
      %div3A_249 = arith.constant 1.638400e+04 : f32
      %div3A_250 = vector.broadcast %div3A_249 : f32 to vector<1x2048xf32>
      %div3A_251 = arith.divf %get3A_248, %div3A_250 : vector<1x2048xf32>
      %add3A_252 = arith.constant 1.000000e-10 : f32
      %add3A_253 = vector.broadcast %add3A_252 : f32 to vector<1x2048xf32>
      %add3A_254 = arith.addf %div3A_251, %add3A_253 : vector<1x2048xf32>
      %log3A = math.log %add3A_254 : vector<1x2048xf32>
      %mul3A_255 = arith.mulf %div3A_251, %log3A : vector<1x2048xf32>
      %reduce_sum3A_256 = arith.constant dense<0.000000e+00> : vector<1xf32>
      %reduce_sum3A_257 = vector.multi_reduction <add>, %mul3A_255, %reduce_sum3A_256 [1] : vector<1x2048xf32> to vector<1xf32>
      %broadcast_in_dim3A_258 = vector.shape_cast %reduce_sum3A_257 : vector<1xf32> to vector<1x1xf32>
      %neg3A_259 = arith.constant 0.000000e+00 : f32
      %neg3A_260 = vector.broadcast %neg3A_259 : f32 to vector<1x1xf32>
      %neg3A_261 = arith.subf %neg3A_260, %broadcast_in_dim3A_258 : vector<1x1xf32>
      %exp3A = math.exp %neg3A_261 : vector<1x1xf32>
      %swap3A_262 = arith.constant 0 : index
      %swap3A_263 = arith.constant 0 : index
      %swap3A_264 = vector.load %arg6[%swap3A_262, %swap3A_263] : memref<1x1xf32, #tpu.memory_space<vmem>>, vector<1x1xf32>
      tpu.vector_store %arg6[%swap3A_262, %swap3A_263], %exp3A {strides = array<i32>} : memref<1x1xf32, #tpu.memory_space<vmem>>, vector<1x1xf32>,
    } else {
    }
    return
  }
  func.func @transform_0(%arg0: i32) -> (i32, i32) {
    %c0_i32 = arith.constant 0 : i32
    %c0_i32_0 = arith.constant 0 : i32
    return %arg0, %c0_i32 : i32, i32
  }
  func.func @transform_1(%arg0: i32) -> (i32, i32) {
    %c0_i32 = arith.constant 0 : i32
    %c0_i32_0 = arith.constant 0 : i32
    %c0_i32_1 = arith.constant 0 : i32
    return %c0_i32, %c0_i32_0 : i32, i32
  }
  func.func @transform_2(%arg0: i32) -> (i32, i32) {
    %c0_i32 = arith.constant 0 : i32
    %c0_i32_0 = arith.constant 0 : i32
    return %arg0, %c0_i32 : i32, i32
  }
  func.func @transform_3(%arg0: i32) -> (i32, i32) {
    %c0_i32 = arith.constant 0 : i32
    %c0_i32_0 = arith.constant 0 : i32
    return %arg0, %c0_i32 : i32, i32
  }
  func.func @transform_4(%arg0: i32) -> (i32, i32) {
    %c0_i32 = arith.constant 0 : i32
    %c0_i32_0 = arith.constant 0 : i32
    return %arg0, %c0_i32 : i32, i32
  }
  func.func @transform_5(%arg0: i32) -> (i32, i32) {
    %c0_i32 = arith.constant 0 : i32
    %c0_i32_0 = arith.constant 0 : i32
    %c0_i32_1 = arith.constant 0 : i32
    return %c0_i32, %c0_i32_0 : i32, i32
  }
  func.func @transform_6(%arg0: i32) -> (i32, i32) {
    %c0_i32 = arith.constant 0 : i32
    %c0_i32_0 = arith.constant 0 : i32
    %c0_i32_1 = arith.constant 0 : i32
    return %c0_i32, %c0_i32_0 : i32, i32
  }
}

</mosaic_0001>

<sc_bundles>
// kernel: kernel.4.cloned.1.call-start
scs
__scs_entry_jumppad:
0x0: {  	(pc) =	sbr.rel $0x88, $3  }
0x1: {  	(tag) =	ssettag $0x0;
	lr =	simm.s32 $0x1  }
0x2: {  	[smem:$0x3F9F] =	sst lr;
	_ =	strace $0xD0000000  }
0x3: {  	_ = 	snop  }
0x4: {  	_ = 	snop  }
0x5: {  	_ = 	snop  }
0x6: {  	_ = 	snop  }
0x7: {  	_ = 	snop  }
__scs_overlays_trampoline_lowered:
0x8: {  	[smem:$0x3FAE] =	sst s0  }
0x9: {  	[smem:$0x3FAF] =	sst s1  }
0xa: {  	[smem:$0x3FB0] =	sst s2  }
0xb: {  	[smem:$0x3FB1] =	sst s3  }
0xc: {  	[smem:$0x3FB2] =	sst s4  }
0xd: {  	[smem:$0x3FB3] =	sst s5  }
0xe: {  	[smem:$0x3FB4] =	sst s6  }
0xf: {  	[smem:$0x3FB5] =	sst s7  }
0x10: {  	[smem:$0x3FB6] =	sst s8  }
0x11: {  	[smem:$0x3FB7] =	sst s9;
	s0 =	simm.s32 @!p0 $0x0  }
0x12: {  	s1 =	sld [smem:$0x3F9D];
	s0 =	simm.s32 @p0 $0x1  }
0x13: {  	[smem:$0x3FB8] =	sst s0;
	s0 =	simm.s32 @!p1 $0x0  }
0x14: {  	s2 =	sld [smem:$0x3F9C];
	s0 =	simm.s32 @p1 $0x1  }
0x15: {  	[smem:$0x3FB9] =	sst s0;
	s0 =	simm.s32 @!p2 $0x0  }
0x16: {  	s3 =	sld [smem:$0x3FDB];
	s0 =	simm.s32 @p2 $0x1  }
0x17: {  	s4 =	simm.s32 $0x1BF5;
	[smem:$0x3FBB] =	sst s0  }
0x18: {  	s0 =	sld [smem:$0x3F9E];
	_ =	swait.ge [sflag:s4], $0x0  }
0x19: {  	s7 =	sld [smem:$0x3F9F]  }
0x1a: {  	s8 =	sadd.s32 $0xFFFFE003, lr  }
0x1b: {  	s9 =	sadd.s32 $0xFFFFFEF7, lr;
	s5 =	simm.s32 $0xFFFFFFFF;
	p2 =	slt.u32 s8, $0xFFFFF086  }
0x1c: {  	p1 =	slt.u32 s9, $0xF7A;
	s5 =	simm.s32 @!p2 $0x0  }
0x1d: {  	s5 =	simm.s32 @p1 $0x1;
	p0 =	seq.s32 s7, s2  }
0x1e: {  	s7 =	smul.u32 @!p0 $0xF7A, s2;
	p2 =	seq.s32 @!p0 s5, $0x0  }
0x1f: {  	s9 =	smul.u32 $0xF7A, s1;
	s8 =	simm.s32 @!p0 $0x1BF5;
	p2 =	por !p2, p0  }
0x20: {  	[sflag:s8] =	ssyncset.s32 @!p0 $0xFFFFF086;
	s6 =	sadd.s32 @!p0 s3, s7;
	s7 =	simm.s32 @!p0 $0x108  }
0x21: {  	s3 =	sadd.s32 s3, s9;
	s6 =	sadd.s32 @!p0 $0x88, s6;
	s7 =	simm.s32 @p2 $0x1082  }
0x22: {  	[simem:s7], [sflag:s8] =	dma.local @!p0 [hbm:s6], $0xF7A  }
0x23: {  	s9 =	sor.u32 $0xD0000000, s2;
	s6 =	simm.s32 $0x108;
	_ =	swait.ge @!p0 [sflag:s8], $0x0  }
0x24: {  	s3 =	sadd.s32 $0x88, s3;
	s6 =	simm.s32 @!p1 $0x1082;
	[sflag:s4] =	ssyncset.s32 $0xFFFFF086  }
0x25: {  	[simem:s6], [sflag:s4] =	dma.local [hbm:s3], $0xF7A  }
0x26: {  	[smem:$0x3F9F] =	sst s1;
	(tag) =	ssettag s2;
	_ =	strace s9  }
0x27: {  	s1 =	sld [smem:$0x3FAF]  }
0x28: {  	s2 =	sld [smem:$0x3FB0]  }
0x29: {  	s4 =	sld [smem:$0x3FB2]  }
0x2a: {  	p0 =	seq.s32 s5, $0x0;
	s5 =	sld [smem:$0x3FB3]  }
0x2b: {  	s6 =	sld [smem:$0x3FB4]  }
0x2c: {  	s7 =	sld [smem:$0x3FB5]  }
0x2d: {  	s3 =	simm.s32 $0x108;
	s8 =	sld [smem:$0x3FB6]  }
0x2e: {  	s3 =	simm.s32 @!p0 $0x1082;
	s9 =	sld [smem:$0x3FB7]  }
0x2f: {  	lr =	sadd.s32 s0, s3;
	s0 =	sld [smem:$0x3FAE]  }
0x30: {  	s3 =	sld [smem:$0x3FB1]  }
0x31: {  	[smem:$0x3FBA] =	sst s10  }
0x32: {  	s10 =	sld [smem:$0x3FB8];
	_ =	sdelay $0x3  }
0x33: {  	p0 =	seq.s32 s10, $0x1;
	s10 =	sld [smem:$0x3FBA];
	_ =	sdelay $0x3  }
0x34: {  	[smem:$0x3FBA] =	sst s10  }
0x35: {  	s10 =	sld [smem:$0x3FB9];
	_ =	sdelay $0x3  }
0x36: {  	p1 =	seq.s32 s10, $0x1;
	s10 =	sld [smem:$0x3FBA];
	_ =	sdelay $0x3  }
0x37: {  	[smem:$0x3FBA] =	sst s10  }
0x38: {  	s10 =	sld [smem:$0x3FBB]  }
0x39: {  	_ = 	snop;
	(pc) =	sbr.ind lr, $3  }
0x3a: {  	_ = 	snop  }
0x3b: {  	_ = 	snop  }
0x3c: {  	p2 =	seq.s32 s10, $0x1;
	s10 =	sld [smem:$0x3FBA]  }
0x3d: {  	_ =	shalt  }
0x3e: {  	_ =	shalt  }
0x3f: {  	_ =	shalt  }
0x40: {  	_ =	shalt  }
0x41: {  	_ =	shalt  }
0x42: {  	_ =	shalt  }
0x43: {  	_ =	shalt  }
0x44: {  	_ =	shalt  }
0x45: {  	_ =	shalt  }
0x46: {  	_ =	shalt  }
0x47: {  	_ =	shalt  }
0x48: {  	_ =	shalt  }
0x49: {  	_ =	shalt  }
0x4a: {  	_ =	shalt  }
0x4b: {  	_ =	shalt  }
0x4c: {  	_ =	shalt  }
0x4d: {  	_ =	shalt  }
0x4e: {  	_ =	shalt  }
0x4f: {  	_ =	shalt  }
0x50: {  	_ =	shalt  }
0x51: {  	_ =	shalt  }
0x52: {  	_ =	shalt  }
0x53: {  	_ =	shalt  }
0x54: {  	_ =	shalt  }
0x55: {  	_ =	shalt  }
0x56: {  	_ =	shalt  }
0x57: {  	_ =	shalt  }
0x58: {  	_ =	shalt  }
0x59: {  	_ =	shalt  }
0x5a: {  	_ =	shalt  }
0x5b: {  	_ =	shalt  }
0x5c: {  	_ =	shalt  }
0x5d: {  	_ =	shalt  }
0x5e: {  	_ =	shalt  }
0x5f: {  	_ =	shalt  }
0x60: {  	_ =	shalt  }
0x61: {  	_ =	shalt  }
0x62: {  	_ =	shalt  }
0x63: {  	_ =	shalt  }
0x64: {  	_ =	shalt  }
0x65: {  	_ =	shalt  }
0x66: {  	_ =	shalt  }
0x67: {  	_ =	shalt  }
0x68: {  	_ =	shalt  }
0x69: {  	_ =	shalt  }
0x6a: {  	_ =	shalt  }
0x6b: {  	_ =	shalt  }
0x6c: {  	_ =	shalt  }
0x6d: {  	_ =	shalt  }
0x6e: {  	_ =	shalt  }
0x6f: {  	_ =	shalt  }
0x70: {  	_ =	shalt  }
0x71: {  	_ =	shalt  }
0x72: {  	_ =	shalt  }
0x73: {  	_ =	shalt  }
0x74: {  	_ =	shalt  }
0x75: {  	_ =	shalt  }
0x76: {  	_ =	shalt  }
0x77: {  	_ =	shalt  }
0x78: {  	_ =	shalt  }
0x79: {  	_ =	shalt  }
0x7a: {  	_ =	shalt  }
0x7b: {  	_ =	shalt  }
0x7c: {  	_ =	shalt  }
0x7d: {  	_ =	shalt  }
0x7e: {  	_ =	shalt  }
0x7f: {  	_ =	shalt  }
0x80: {  	_ =	shalt  }
0x81: {  	_ =	shalt  }
0x82: {  	_ =	shalt  }
0x83: {  	_ =	shalt  }
0x84: {  	_ =	shalt  }
0x85: {  	_ =	shalt  }
0x86: {  	_ =	shalt  }
0x87: {  	_ =	shalt  }
.Lfunc_end0:
.L_simem_size_0:
called_computation_lowered:
.L_overlay_start_0:
0x88: {  	s2 =	sld [smem:$0x3FD9]  }
0x89: {  	s3 =	sld [smem:$0x3FFE];
	_ =	sdelay $0x1  }
0x8a: {  	s1 =	srdreg.scid  }
0x8b: {  	s0 =	sand.u32 $0x1, s1  }
0x8c: {  	s16 =	sshll.u32 s0, $0xA;
	s2 =	sadd.s32 s3, s2  }
0x8d: {  	s2 =	sadd.s32 s2, s16  }
0x8e: {  	[smem:$0x3FC6] =	sst s2  }
0x8f: {  	_ = 	snop  }
0x90: {  	(tm) =	ssettm $0x1  }
0x91: {  	s17 =	sld [smem:$0x3FFB];
	_ =	sdelay $0x3  }
0x92: {  	_ =	strace s17  }
0x93: {  	s2 =	sld [smem:$0x3FFC];
	_ =	sdelay $0x3  }
0x94: {  	_ =	strace s2  }
0x95: {  	s2 =	sld [smem:$0x3FFD];
	_ =	sdelay $0x3  }
0x96: {  	_ =	strace s2  }
0x97: {  	_ =	strace $0x8FFFFFFF  }
0x98: {  	s18 =	sld [smem:$0x3FDB];
	_ =	sdelay $0x1  }
0x99: {  	s19 =	simm.s32 $_scs_section_size  }
0x9a: {  	s4 =	simm.s32 $_size__tile_overlayer_lowered;
	s5 =	simm.s32 $_tile_overlayer_lowered  }
0x9b: {  	s22 =	simm.s32 $0x1BFF;
	s21 =	sshll.u32 s5, $0x1;
	s2 =	sadd.s32 s19, s18  }
0x9c: {  	s6 =	simm.s32 $0x0;
	s20 =	sshll.u32 s4, $0x1;
	s4 =	sadd.s32 s21, s2  }
0x9d: {  	[timem:s6], [sflag:s22] =	dma.local [hbm:s4], s20  }
0x9e: {  	_ =	swait.ge [sflag:s22], s20  }
0x9f: {  	s3 =	ssub.s32 $0x0, s20;
	[sflag:s22] =	ssyncset.done $0x0  }
0xa0: {  	[sflag:s22] =	ssyncadd.s32 s3;
	_ =	sdelay $0x1  }
0xa1: {  	s23 =	simm.s32 $0x1B8B  }
0xa2: {  	_ =	swait.ge [sflag:s23], $0x1  }
0xa3: {  	[sflag:s23] =	ssyncset.done $0x0  }
0xa4: {  	s25 =	simm.s32 $0x1B8E;
	s24 =	sld [smem:$0x3FFE];
	[sflag:s23] =	ssyncadd.s32 $0xFFFFFFFF  }
0xa5: {  	s26 =	simm.s32 $execute0_lowered;
	[smem:$0x3FD2] =	sst s25  }
0xa6: {  	s4 =	sshll.u32 s26, $0x1;
	_ =	strace $0x80000046;
	[dreg:$0x1] =	wrdreg $0xFFFFFFFF  }
0xa7: {  	s28 =	simm.s32 $_size_execute0_lowered;
	s2 =	sadd.s32 s2, s4;
	[dreg:$0x0] =	wrdreg $0x0  }
0xa8: {  	s4 =	sshll.u32 s28, $0x1;
	[dreg:$0x2] =	wrdreg s2  }
0xa9: {  	[dreg:$0x3] =	wrdreg s4  }
0xaa: {  	[dreg:$0x4] =	wrdreg $0xC0  }
0xab: {  	_ =	task [dreg:s6], $0x5FFFF  }
0xac: {  	[dreg:$0x1] =	wrdreg $0xFFFFFFFF  }
0xad: {  	[dreg:$0x0] =	wrdreg $0x60  }
0xae: {  	[dreg:$0x2] =	wrdreg s24  }
0xaf: {  	[dreg:$0x3] =	wrdreg $0x9  }
0xb0: {  	_ =	task.clear_ibuf [dreg:s6], $0x4FFFF;
	_ =	strace $0x90000046  }
0xb1: {  	s29 =	simm.s32 $0x9;
	_ =	strace $0x80000048  }
0xb2: {  	_ =	swait.ge [sflag:s29], $0x1  }
0xb3: {  	[sflag:s29] =	ssyncadd.s32 $0xFFFFFFFF  }
0xb4: {  	_ =	strace $0x90000048  }
0xb5: {  	_ =	sfence  }
0xb6: {  	s30 =	sld [smem:$0x0];
	_ =	sdelay $0x2  }
0xb7: {  	s31 =	sshll.u32 s1, $0xD;
	s1 =	sshrl.u32 s1, $0x2  }
0xb8: {  	s3 =	sand.u32 $0x4000, s31;
	s1 =	sadd.s32 s1, s30  }
0xb9: {  	s0 =	sor.u32 s3, s0;
	s1 =	sshll.u32 s1, $0x11  }
0xba: {  	s0 =	sor.u32 s1, s0  }
0xbb: {  	s0 =	sadd.s32 $0x8F2B, s0  }
0xbc: {  	[sflag:s0] =	ssyncadd.remote.s32 $0x1  }
0xbd: {  	_ =	sfence.sel $0xFFFF  }
0xbe: {  	[dreg:$0x0] =	wrdreg $0xFFFFFFFF;
	(pc) =	sbr.abs _section_cstart, $3  }
0xbf: {  	[dreg:$0x1] =	wrdreg $0xFFFFFFFF  }
0xc0: {  	_ =	task.clear_ibuf [dreg:s6], $0x2FFFF;
	_ =	strace $0x9FFFFFFF  }
0xc1: {  	(tm) =	ssettm $0x7FFFFFFF  }
tec
execute0_lowered:
.L_overlay_start_1:
0x0: {  	(tag) =	ssettag $0x1  }
0x1: {  	s1 =	srdreg.scid  }
0x2: {  	s0 =	stileid.u32;
	s17 =	sand.u32 $0x1, s1  }
0x3: {  	s11 =	rddreg [dreg:$0x0];
	s3 =	sshll.u32 s0, $0xC;
	s4 =	sshll.u32 s17, $0xB  }
0x4: {  	s2 =	simm.s32 $0x0;
	s1 =	rddreg [dreg:$0x1];
	s15 =	sor.u32 s4, s3  }
0x5: {  	[smem:$0x7FF] =	sst s2;
	s16 =	sadd.s32 $0x10600, s11;
	s3 =	sshrl.u32 s15, $0x3  }
0x6: {  	_ =	strace $0x80000047;
	s4 =	sadd.s32 s16, s3;
	s3 =	simm.s32 $0x3  }
0x7: {  	[tilespmem:s2], [sflag:$0x3] =	stream.linear.gather [hbm4b:s4+s2], $0x200, $0x38;
	[tilespmem:$0x10400] =	vst v63  }
0x8: {  	s6 =	simm.s32 $0x200;
	_ =	swait.ge [sflag:s3], $0x200  }
0x9: {  	s7 =	simm.s32 $0x400;
	s14 =	sor.u32 $0x200, s15;
	[sflag:s3] =	ssyncset.done $0x0  }
0xa: {  	s5 =	sadd.s32 $0x600, s11;
	s8 =	sshrl.u32 s14, $0x3;
	[sflag:s3] =	ssyncadd.s32 $0xFFFFFE00  }
0xb: {  	[tilespmem:s7], [sflag:$0x1] =	stream.indirect.gather [hbm4b:s5+s6], $0x40, s2, s6, $0xb8;
	[tilespmem:$0x10400] =	vst v63  }
0xc: {  	s8 =	sadd.s32 s16, s8  }
0xd: {  	[tilespmem:s6], [sflag:$0x3] =	stream.linear.gather [hbm4b:s8+s2], $0x200, $0x38;
	[tilespmem:$0x10400] =	vst v63  }
0xe: {  	_ =	swait.ge [sflag:s3], $0x200  }
0xf: {  	[sflag:s3] =	ssyncset.done $0x0  }
0x10: {  	s9 =	simm.s32 $0x8400;
	s10 =	simm.s32 $0x1;
	[sflag:s3] =	ssyncadd.s32 $0xFFFFFE00  }
0x11: {  	[tilespmem:s9], [sflag:$0x2] =	stream.indirect.gather [hbm4b:s5+s6], $0x40, s6, s6, $0xb8;
	[tilespmem:$0x10400] =	vst v63  }
0x12: {  	_ =	swait.ge [sflag:s10], $0x8000  }
0x13: {  	s18 =	sadd.s32 $0x12600, s11;
	s26 =	sshll.u32 s15, $0x3;
	[sflag:s10] =	ssyncset.done $0x0  }
0x14: {  	s11 =	sadd.s32 s18, s26;
	[sflag:s10] =	ssyncadd.s32 $0xFFFF8000  }
0x15: {  	[hbm4b:s11+s2] =	stream.linear.scatter [tilespmem:s7], [sflag:$0x3], $0x8000, $0x38;
	[tilespmem:$0x10400] =	vst v63  }
0x16: {  	s19 =	sor.u32 $0x400, s15;
	_ =	swait.ge [sflag:s3], $0x8000  }
0x17: {  	s12 =	sshrl.u32 s19, $0x3;
	[sflag:s3] =	ssyncset.done $0x0  }
0x18: {  	s12 =	sadd.s32 s16, s12;
	[sflag:s3] =	ssyncadd.s32 $0xFFFF8000  }
0x19: {  	[tilespmem:s2], [sflag:$0x3] =	stream.linear.gather [hbm4b:s12+s2], $0x200, $0x38;
	[tilespmem:$0x10400] =	vst v63  }
0x1a: {  	_ =	swait.ge [sflag:s3], $0x200  }
0x1b: {  	[sflag:s3] =	ssyncset.done $0x0  }
0x1c: {  	s13 =	simm.s32 $0x2;
	[sflag:s3] =	ssyncadd.s32 $0xFFFFFE00  }
0x1d: {  	[tilespmem:s7], [sflag:$0x1] =	stream.indirect.gather [hbm4b:s5+s6], $0x40, s2, s6, $0xb8;
	[tilespmem:$0x10400] =	vst v63  }
0x1e: {  	_ =	swait.ge [sflag:s13], $0x8000  }
0x1f: {  	s14 =	sshll.u32 s14, $0x3;
	[sflag:s13] =	ssyncset.done $0x0  }
0x20: {  	s14 =	sadd.s32 s18, s14;
	[sflag:s13] =	ssyncadd.s32 $0xFFFF8000  }
0x21: {  	[hbm4b:s14+s2] =	stream.linear.scatter [tilespmem:s9], [sflag:$0x3], $0x8000, $0x38;
	[tilespmem:$0x10400] =	vst v63  }
0x22: {  	s20 =	sor.u32 $0x600, s15;
	_ =	swait.ge [sflag:s3], $0x8000  }
0x23: {  	s15 =	sshrl.u32 s20, $0x3;
	[sflag:s3] =	ssyncset.done $0x0  }
0x24: {  	s15 =	sadd.s32 s16, s15;
	[sflag:s3] =	ssyncadd.s32 $0xFFFF8000  }
0x25: {  	[tilespmem:s6], [sflag:$0x3] =	stream.linear.gather [hbm4b:s15+s2], $0x200, $0x38;
	[tilespmem:$0x10400] =	vst v63  }
0x26: {  	_ =	swait.ge [sflag:s3], $0x200  }
0x27: {  	[sflag:s3] =	ssyncset.done $0x0  }
0x28: {  	[sflag:s3] =	ssyncadd.s32 $0xFFFFFE00  }
0x29: {  	[tilespmem:s9], [sflag:$0x2] =	stream.indirect.gather [hbm4b:s5+s6], $0x40, s6, s6, $0xb8;
	[tilespmem:$0x10400] =	vst v63  }
0x2a: {  	_ =	swait.ge [sflag:s10], $0x8000  }
0x2b: {  	s28 =	sshll.u32 s19, $0x3;
	[sflag:s10] =	ssyncset.done $0x0  }
0x2c: {  	s17 =	ssub.s32 $0x2, s17;
	s16 =	sadd.s32 s18, s28;
	[sflag:s10] =	ssyncadd.s32 $0xFFFF8000  }
0x2d: {  	[hbm4b:s16+s2] =	stream.linear.scatter [tilespmem:s7], [sflag:$0x3], $0x8000, $0x38;
	[tilespmem:$0x10400] =	vst v63  }
0x2e: {  	s29 =	sshrl.u32 s17, $0x1;
	_ =	swait.ge [sflag:s3], $0x8000  }
0x2f: {  	s19 =	ssub.s32 s17, s29;
	[sflag:s3] =	ssyncset.done $0x0  }
0x30: {  	s31 =	smax.u32 s19, $0x1;
	[sflag:s3] =	ssyncadd.s32 $0xFFFF8000  }
0x31: {  	p0 =	sne.s32 s31, $0x1;
	_ =	swait.ge [sflag:s13], $0x8000  }
.Ltmp0:
0x32: {  	s30 =	sshll.u32 s20, $0x3;
	[sflag:s13] =	ssyncset.done $0x0;
	(pc) =	sbr.rel @!p0 .LBB2_2-.Ltmp0, $4  }
0x33: {  	s17 =	sadd.s32 s18, s30;
	[sflag:s13] =	ssyncadd.s32 $0xFFFF8000  }
0x34: {  	[hbm4b:s17+s2] =	stream.linear.scatter [tilespmem:s9], [sflag:$0x3], $0x8000, $0x38;
	[tilespmem:$0x10400] =	vst v63  }
0x35: {  	_ =	swait.ge [sflag:s3], $0x8000  }
0x36: {  	s18 =	sadd.s32 $0xFFFFFFFF, s31;
	[sflag:s3] =	ssyncset.done $0x0  }
.LBB2_1:
0x37: {  	p0 =	sne.s32 s18, $0x1;
	s18 =	sadd.s32 $0xFFFFFFFF, s18;
	[sflag:s3] =	ssyncadd.s32 $0xFFFF8000  }
0x38: {  	[tilespmem:s2], [sflag:$0x3] =	stream.linear.gather [hbm4b:s4+s2], $0x200, $0x38;
	[tilespmem:$0x10400] =	vst v63  }
0x39: {  	_ =	swait.ge [sflag:s3], $0x200  }
0x3a: {  	[sflag:s3] =	ssyncset.done $0x0  }
0x3b: {  	[sflag:s3] =	ssyncadd.s32 $0xFFFFFE00  }
0x3c: {  	[tilespmem:s7], [sflag:$0x1] =	stream.indirect.gather [hbm4b:s5+s6], $0x40, s2, s6, $0xb8;
	[tilespmem:$0x10400] =	vst v63  }
0x3d: {  	_ = 	snop  }
0x3e: {  	[tilespmem:s6], [sflag:$0x3] =	stream.linear.gather [hbm4b:s8+s2], $0x200, $0x38;
	[tilespmem:$0x10400] =	vst v63  }
0x3f: {  	_ =	swait.ge [sflag:s3], $0x200  }
0x40: {  	[sflag:s3] =	ssyncset.done $0x0  }
0x41: {  	[sflag:s3] =	ssyncadd.s32 $0xFFFFFE00  }
0x42: {  	[tilespmem:s9], [sflag:$0x2] =	stream.indirect.gather [hbm4b:s5+s6], $0x40, s6, s6, $0xb8;
	[tilespmem:$0x10400] =	vst v63  }
0x43: {  	_ =	swait.ge [sflag:s10], $0x8000  }
0x44: {  	[sflag:s10] =	ssyncset.done $0x0  }
0x45: {  	[sflag:s10] =	ssyncadd.s32 $0xFFFF8000  }
0x46: {  	[hbm4b:s11+s2] =	stream.linear.scatter [tilespmem:s7], [sflag:$0x3], $0x8000, $0x38;
	[tilespmem:$0x10400] =	vst v63  }
0x47: {  	_ =	swait.ge [sflag:s3], $0x8000  }
0x48: {  	[sflag:s3] =	ssyncset.done $0x0  }
0x49: {  	[sflag:s3] =	ssyncadd.s32 $0xFFFF8000  }
0x4a: {  	[tilespmem:s2], [sflag:$0x3] =	stream.linear.gather [hbm4b:s12+s2], $0x200, $0x38;
	[tilespmem:$0x10400] =	vst v63  }
0x4b: {  	_ =	swait.ge [sflag:s3], $0x200  }
0x4c: {  	[sflag:s3] =	ssyncset.done $0x0  }
0x4d: {  	[sflag:s3] =	ssyncadd.s32 $0xFFFFFE00  }
0x4e: {  	[tilespmem:s7], [sflag:$0x1] =	stream.indirect.gather [hbm4b:s5+s6], $0x40, s2, s6, $0xb8;
	[tilespmem:$0x10400] =	vst v63  }
0x4f: {  	_ =	swait.ge [sflag:s13], $0x8000  }
0x50: {  	[sflag:s13] =	ssyncset.done $0x0  }
0x51: {  	[sflag:s13] =	ssyncadd.s32 $0xFFFF8000  }
0x52: {  	[hbm4b:s14+s2] =	stream.linear.scatter [tilespmem:s9], [sflag:$0x3], $0x8000, $0x38;
	[tilespmem:$0x10400] =	vst v63  }
0x53: {  	_ =	swait.ge [sflag:s3], $0x8000  }
0x54: {  	[sflag:s3] =	ssyncset.done $0x0  }
0x55: {  	[sflag:s3] =	ssyncadd.s32 $0xFFFF8000  }
0x56: {  	[tilespmem:s6], [sflag:$0x3] =	stream.linear.gather [hbm4b:s15+s2], $0x200, $0x38;
	[tilespmem:$0x10400] =	vst v63  }
0x57: {  	_ =	swait.ge [sflag:s3], $0x200  }
0x58: {  	[sflag:s3] =	ssyncset.done $0x0  }
0x59: {  	[sflag:s3] =	ssyncadd.s32 $0xFFFFFE00  }
0x5a: {  	[tilespmem:s9], [sflag:$0x2] =	stream.indirect.gather [hbm4b:s5+s6], $0x40, s6, s6, $0xb8;
	[tilespmem:$0x10400] =	vst v63  }
0x5b: {  	_ =	swait.ge [sflag:s10], $0x8000  }
0x5c: {  	[sflag:s10] =	ssyncset.done $0x0  }
0x5d: {  	[sflag:s10] =	ssyncadd.s32 $0xFFFF8000  }
0x5e: {  	[hbm4b:s16+s2] =	stream.linear.scatter [tilespmem:s7], [sflag:$0x3], $0x8000, $0x38;
	[tilespmem:$0x10400] =	vst v63  }
0x5f: {  	_ =	swait.ge [sflag:s3], $0x8000  }
0x60: {  	[sflag:s3] =	ssyncset.done $0x0  }
0x61: {  	[sflag:s3] =	ssyncadd.s32 $0xFFFF8000  }
0x62: {  	_ =	swait.ge [sflag:s13], $0x8000  }
.Ltmp1:
0x63: {  	[sflag:s13] =	ssyncset.done $0x0;
	(pc) =	sbr.rel @p0 .LBB2_1-.Ltmp1, $4  }
0x64: {  	[sflag:s13] =	ssyncadd.s32 $0xFFFF8000  }
0x65: {  	[hbm4b:s17+s2] =	stream.linear.scatter [tilespmem:s9], [sflag:$0x3], $0x8000, $0x38;
	[tilespmem:$0x10400] =	vst v63  }
0x66: {  	_ =	swait.ge [sflag:s3], $0x8000  }
0x67: {  	[sflag:s3] =	ssyncset.done $0x0  }
.LBB2_2:
0x68: {  	[sflag:s3] =	ssyncadd.s32 $0xFFFF8000  }
0x69: {  	_ =	sfence.sel $0x180000  }
0x6a: {  	[bflag:$0x0] =	sbarrier.arrive $0xFFFF  }
0x6b: {  	p0 =	sne.s32 s0, $0x0;
	_ =	strace $0x90000047  }
0x6c: {  	s0 =	sadd.s32 @!p0 $0x100000, s1;
	[bflag:$0x2] =	sbarrier.arrive $0xFFFF  }
0x6d: {  	[sflag:s0] =	ssyncadd.tile.s32 @!p0 $0x1;
	_ =	shalt  }
.Lfunc_end2:
_tile_overlayer_lowered:
.L_overlay_start_2:
0x6e: {  	(tag) =	ssettag $0x2  }
0x6f: {  	s0 =	rddreg [dreg:$0x0];
	s2 =	stileid.u32  }
0x70: {  	s1 =	rddreg [dreg:$0x1];
	p0 =	sne.s32 s2, $0x0  }
0x71: {  	s3 =	rddreg [dreg:$0x2];
	[bflag:$0x3] =	sbarrier.arrive $0xFFFF;
	s2 =	simm.s32 @!p0 $0x1C03  }
0x72: {  	[timem:s3], [sflag:s2] =	dma.local @!p0 [hbm:s0], s1  }
0x73: {  	s0 =	simm.s32 @!p0 $0x3  }
0x74: {  	_ =	swait.ge @!p0 [sflag:s0], s1  }
0x75: {  	s1 =	ssub.s32 @!p0 $0x0, s1;
	[sflag:s0] =	ssyncset.done @!p0 $0x0  }
0x76: {  	[sflag:s0] =	ssyncadd.s32 @!p0 s1  }
0x77: {  	[bflag:$0x3] =	sbarrier.arrive $0xFFFF  }
0x78: {  	_ =	shalt  }

</sc_bundles>
